<compile_context>
chip_gen: v7x
topology: tpu7x:2x2x1
jax: 0.10.2.dev20260603
libtpu: 0.0.44.dev20260713+nightly
codegen_flags: <defaults>
</compile_context>

<pallas_src>
import functools

import jax
import jax.numpy as jnp
from jax import lax
from jax.experimental import pallas as pl
from jax.experimental.pallas import tpu as pltpu
from jax.experimental.pallas import tpu_sc as plsc

VOCAB = 100000
N_ACTIONS = 128
D = 128
B = 8
L_U = 2048
L_C = 128

NC = 2
NS = 16
NW = NC * NS

U_PER_W = (B * L_U) // NW
C_PER_W = (B * L_C) // NW
CHUNK = 128
N_CHUNKS = U_PER_W // CHUNK
W_PER_B = NW // B

ABLK = 2048
N_ABLK = (B * L_U) // ABLK
ABLK_PER_B = L_U // ABLK


def _sc_body(uih_ids, ts, ulen, clen, cand_ids, item_tab,
             out_item, out_cand, out_ts, out_stats,
             idxu_v, cidx_v, r0, r1, r2, r3, cbuf, zeros_v, ts_v,
             ulen_v, clen_v, stat_v,
             isem_u, isem_c, tsem, twsem, csem, cwsem,
             g0, g1, g2, g3, w0, w1, w2, w3):
    ring = (r0, r1, r2, r3)
    gsem = (g0, g1, g2, g3)
    wsem = (w0, w1, w2, w3)

    wid = lax.axis_index("s") * NC + lax.axis_index("c")
    b = wid // W_PER_B
    seq0 = (wid % W_PER_B) * U_PER_W
    cpos0 = (wid % W_PER_B) * C_PER_W

    lanes = lax.broadcasted_iota(jnp.int32, (16,), 0)
    zero16f = jnp.zeros((16,), jnp.float32)

    cp_idxu = pltpu.make_async_copy(uih_ids.at[b, pl.ds(seq0, U_PER_W)], idxu_v, isem_u)
    cp_cidx = pltpu.make_async_copy(cand_ids.at[b, pl.ds(cpos0, C_PER_W)], cidx_v, isem_c)
    cp_ts = pltpu.make_async_copy(ts.at[b, pl.ds(seq0, U_PER_W)], ts_v, tsem)
    cp_idxu.start()
    cp_cidx.start()
    cp_ts.start()
    pltpu.sync_copy(ulen, ulen_v.at[pl.ds(0, B)])
    pltpu.sync_copy(clen, clen_v.at[pl.ds(0, B)])

    len_b = ulen_v[pl.ds(b, 16)][0]
    clen_b = clen_v[pl.ds(b, 16)][0]

    nvalid = [len_b - seq0 - c * CHUNK for c in range(N_CHUNKS)]
    cvalid = clen_b - cpos0

    def g_copy(c):
        return pltpu.make_async_copy(
            item_tab.at[idxu_v.at[pl.ds(c * CHUNK, CHUNK)]], ring[c], gsem[c])

    def w_copy(c):
        return pltpu.make_async_copy(
            ring[c], out_item.at[b, pl.ds(seq0 + c * CHUNK, CHUNK)], wsem[c])

    def zw_copy(c):
        return pltpu.make_async_copy(
            zeros_v, out_item.at[b, pl.ds(seq0 + c * CHUNK, CHUNK)], wsem[c])

    cp_idxu.wait()
    for c in range(N_CHUNKS):
        @pl.when(nvalid[c] > 0)
        def _(c=c):
            g_copy(c).start()

    cp_cidx.wait()
    cp_cg = pltpu.make_async_copy(item_tab.at[cidx_v], cbuf, csem)

    @pl.when(cvalid > 0)
    def _():
        cp_cg.start()

    need_z = jnp.logical_or(len_b - seq0 <= (N_CHUNKS - 1) * CHUNK, cvalid <= 0)

    @pl.when(need_z)
    def _():
        def _zinit(r, carry):
            for jj in range(D // 16):
                zeros_v[r, pl.ds(jj * 16, 16)] = zero16f
            return carry
        lax.fori_loop(0, CHUNK, _zinit, 0)

    def _zero_tail(buf, nv, size):
        def _zrow(r, carry):
            for jj in range(D // 16):
                buf[r, pl.ds(jj * 16, 16)] = zero16f
            return carry
        lax.fori_loop(jnp.maximum(nv, 0), size, _zrow, 0)

    cp_ts.wait()

    def _tmask(i, carry):
        v = ts_v[pl.ds(i * 16, 16)]
        pos = seq0 + i * 16 + lanes
        ts_v[pl.ds(i * 16, 16)] = jnp.where(pos < len_b, v, jnp.int32(0))
        return carry
    lax.fori_loop(0, U_PER_W // 16, _tmask, 0)
    cp_tw = pltpu.make_async_copy(ts_v, out_ts.at[b, pl.ds(seq0, U_PER_W)], twsem)
    cp_tw.start()

    @pl.when(wid == 0)
    def _():
        uv = ulen_v[pl.ds(0, 16)]
        cv = clen_v[pl.ds(0, 16)]
        maxu = functools.reduce(jnp.maximum, [uv[j] for j in range(B)])
        maxc = functools.reduce(jnp.maximum, [cv[j] for j in range(B)])
        stat_v[...] = jnp.where(lanes == 0, maxu,
                                jnp.where(lanes == 1, maxc, jnp.int32(0)))
        pltpu.sync_copy(stat_v, out_stats)

    for c in range(N_CHUNKS):
        @pl.when(nvalid[c] > 0)
        def _(c=c):
            g_copy(c).wait()
            _zero_tail(ring[c], nvalid[c], CHUNK)
            w_copy(c).start()

        @pl.when(nvalid[c] <= 0)
        def _(c=c):
            zw_copy(c).start()

    cw = pltpu.make_async_copy(cbuf, out_cand.at[b, pl.ds(cpos0, C_PER_W)], cwsem)

    @pl.when(cvalid > 0)
    def _():
        cp_cg.wait()
        _zero_tail(cbuf, cvalid, C_PER_W)
        cw.start()

    @pl.when(cvalid <= 0)
    def _():
        pltpu.make_async_copy(zeros_v.at[pl.ds(0, C_PER_W)],
                              out_cand.at[b, pl.ds(cpos0, C_PER_W)], cwsem).start()

    for c in range(N_CHUNKS):
        w_copy(c).wait()
    cw.wait()
    cp_tw.wait()


@jax.jit
def _run_sc(uih_ids, ts, ulen8, clen8, cand_ids, item_table):
    mesh = plsc.VectorSubcoreMesh(core_axis_name="c", subcore_axis_name="s")
    f = functools.partial(
        pl.kernel,
        mesh=mesh,
        out_type=[
            jax.ShapeDtypeStruct((B, L_U, D), jnp.float32),
            jax.ShapeDtypeStruct((B, L_C, D), jnp.float32),
            jax.ShapeDtypeStruct((B, L_U), jnp.int32),
            jax.ShapeDtypeStruct((16,), jnp.int32),
        ],
        scratch_types=[
            pltpu.VMEM((U_PER_W,), jnp.int32),
            pltpu.VMEM((C_PER_W,), jnp.int32),
            pltpu.VMEM((CHUNK, D), jnp.float32),
            pltpu.VMEM((CHUNK, D), jnp.float32),
            pltpu.VMEM((CHUNK, D), jnp.float32),
            pltpu.VMEM((CHUNK, D), jnp.float32),
            pltpu.VMEM((C_PER_W, D), jnp.float32),
            pltpu.VMEM((CHUNK, D), jnp.float32),
            pltpu.VMEM((U_PER_W,), jnp.int32),
            pltpu.VMEM((32,), jnp.int32),
            pltpu.VMEM((32,), jnp.int32),
            pltpu.VMEM((16,), jnp.int32),
        ] + [pltpu.SemaphoreType.DMA] * 14,
    )(_sc_body)
    return f(uih_ids, ts, ulen8, clen8, cand_ids, item_table)


def _tc_action_body(ulen_ref, acts_ref, table_ref, out_ref):
    i = pl.program_id(0)
    len_b = ulen_ref[i // ABLK_PER_B]
    acts = acts_ref[0, 0, :]
    pos = (i % ABLK_PER_B) * ABLK + lax.broadcasted_iota(
        jnp.int32, (ABLK, 1), 0)
    col = lax.broadcasted_iota(jnp.int32, (1, N_ACTIONS), 1)
    onehot = jnp.where(
        jnp.logical_and(acts[:, None] == col, pos < len_b),
        jnp.float32(1.0), jnp.float32(0.0))
    out_ref[0] = jnp.dot(onehot.astype(jnp.bfloat16),
                         table_ref[...].astype(jnp.bfloat16),
                         preferred_element_type=jnp.float32)


@jax.jit
def _run_tc_action(uih_lengths, uih_actions3, action_table):
    return pl.pallas_call(
        _tc_action_body,
        grid=(N_ABLK,),
        in_specs=[
            pl.BlockSpec(memory_space=pltpu.SMEM),
            pl.BlockSpec((1, 1, ABLK), lambda i: (i, 0, 0)),
            pl.BlockSpec((N_ACTIONS, D), lambda i: (0, 0)),
        ],
        out_specs=pl.BlockSpec((1, ABLK, D), lambda i: (i, 0, 0)),
        out_shape=jax.ShapeDtypeStruct((N_ABLK, ABLK, D), jnp.float32),
        compiler_params=pltpu.CompilerParams(
            dimension_semantics=("parallel",)),
    )(uih_lengths, uih_actions3, action_table)


def kernel(uih_ids, uih_actions, uih_timestamps, uih_lengths, cand_ids,
           cand_lengths, item_table, action_table):
    o_item, o_cand, o_ts, o_stats = _run_sc(
        uih_ids, uih_timestamps, uih_lengths, cand_lengths, cand_ids,
        item_table)
    o_act = _run_tc_action(uih_lengths,
                           uih_actions.reshape(N_ABLK, 1, ABLK),
                           action_table)
    return (
        o_item,
        o_act.reshape(B, L_U, D),
        o_cand,
        o_ts,
        o_stats[0],
        uih_lengths,
        o_stats[1],
        cand_lengths,
    )

# --- scband reference (transcript-rebuilt; emitter-appended) ---
"""Pipeline reference for scband-hstusparse-inference-module-22290880266396 (READ-ONLY COPY).

The authoritative reference and input builder live on the scoring server;
editing this copy changes nothing except your own understanding.
"""

import jax, jax.numpy as jnp
import numpy as np

VOCAB = 100000
N_ACTIONS = 128
D = 128
B = 8
L_U = 2048
L_C = 128


def setup_inputs(seed: int = 0) -> dict:
    key = jax.random.key(seed)
    ks = jax.random.split(key, 8)
    uih_ids = jax.random.randint(ks[0], (B, L_U), 0, VOCAB)
    uih_actions = jax.random.randint(ks[1], (B, L_U), 0, N_ACTIONS)
    uih_timestamps = jnp.sort(jax.random.randint(ks[2], (B, L_U), 0, 10000000), axis=-1)
    uih_lengths = jax.random.randint(ks[3], (B,), 1, L_U + 1).astype(jnp.int32)
    cand_ids = jax.random.randint(ks[4], (B, L_C), 0, VOCAB)
    cand_lengths = jax.random.randint(ks[5], (B,), 1, L_C + 1).astype(jnp.int32)
    item_table = jax.random.normal(ks[6], (VOCAB, D), dtype=jnp.float32) * 0.02
    action_table = jax.random.normal(ks[7], (N_ACTIONS, D), dtype=jnp.float32) * 0.02
    return {
        "uih_ids": uih_ids,
        "uih_actions": uih_actions,
        "uih_timestamps": uih_timestamps,
        "uih_lengths": uih_lengths,
        "cand_ids": cand_ids,
        "cand_lengths": cand_lengths,
        "item_table": item_table,
        "action_table": action_table,
    }


def reference(uih_ids, uih_actions, uih_timestamps, uih_lengths, cand_ids, cand_lengths, item_table, action_table):
    # KJT semantics modeled as padded-dense + length masks.
    uih_mask = (jnp.arange(L_U)[None, :] < uih_lengths[:, None]).astype(jnp.float32)[..., None]
    cand_mask = (jnp.arange(L_C)[None, :] < cand_lengths[:, None]).astype(jnp.float32)[..., None]

    # Sequence embeddings per feature (embedding lookups = SparseCore gathers).
    item_emb = jnp.take(item_table, uih_ids, axis=0) * uih_mask
    action_emb = jnp.take(action_table, uih_actions, axis=0) * uih_mask
    cand_emb = jnp.take(item_table, cand_ids, axis=0) * cand_mask

    # Payload features (timestamps) masked to valid positions.
    ts_payload = uih_timestamps * uih_mask[..., 0].astype(uih_timestamps.dtype)

    max_uih_len = jnp.max(uih_lengths)
    max_num_candidates = jnp.max(cand_lengths)

    return (item_emb, action_emb, cand_emb, ts_payload, max_uih_len, uih_lengths, max_num_candidates, cand_lengths)

if __name__ == "__main__":
    import jax
    _d = setup_inputs()
    print(jax.jit(kernel)(*tuple(_d.values())))

</pallas_src>

<mosaic_0001>
#map = affine_map<(d0, d1) -> (0, 0)>
#map1 = affine_map<(d0, d1) -> (0)>
#map2 = affine_map<(d0, d1) -> (0, 0, 0)>
module attributes {stable_mosaic.version = 14 : i64} {
  func.func @_sc_body(%arg0: i32, %arg1: i32, %arg2: memref<8x2048xi32, #tpu.memory_space<hbm>>, %arg3: memref<8x2048xi32, #tpu.memory_space<hbm>>, %arg4: memref<8xi32, #tpu.memory_space<hbm>>, %arg5: memref<8xi32, #tpu.memory_space<hbm>>, %arg6: memref<8x128xi32, #tpu.memory_space<hbm>>, %arg7: memref<100000x128xf32, #tpu.memory_space<hbm>>, %arg8: memref<8x2048x128xf32, #tpu.memory_space<hbm>>, %arg9: memref<8x128x128xf32, #tpu.memory_space<hbm>>, %arg10: memref<8x2048xi32, #tpu.memory_space<hbm>>, %arg11: memref<16xi32, #tpu.memory_space<hbm>>, %arg12: memref<512xi32, #tpu.memory_space<vmem>>, %arg13: memref<32xi32, #tpu.memory_space<vmem>>, %arg14: memref<128x128xf32, #tpu.memory_space<vmem>>, %arg15: memref<128x128xf32, #tpu.memory_space<vmem>>, %arg16: memref<128x128xf32, #tpu.memory_space<vmem>>, %arg17: memref<128x128xf32, #tpu.memory_space<vmem>>, %arg18: memref<32x128xf32, #tpu.memory_space<vmem>>, %arg19: memref<128x128xf32, #tpu.memory_space<vmem>>, %arg20: memref<512xi32, #tpu.memory_space<vmem>>, %arg21: memref<32xi32, #tpu.memory_space<vmem>>, %arg22: memref<32xi32, #tpu.memory_space<vmem>>, %arg23: memref<16xi32, #tpu.memory_space<vmem>>, %arg24: memref<!tpu.dma_semaphore, #tpu.memory_space<semaphore_mem>>, %arg25: memref<!tpu.dma_semaphore, #tpu.memory_space<semaphore_mem>>, %arg26: memref<!tpu.dma_semaphore, #tpu.memory_space<semaphore_mem>>, %arg27: memref<!tpu.dma_semaphore, #tpu.memory_space<semaphore_mem>>, %arg28: memref<!tpu.dma_semaphore, #tpu.memory_space<semaphore_mem>>, %arg29: memref<!tpu.dma_semaphore, #tpu.memory_space<semaphore_mem>>, %arg30: memref<!tpu.dma_semaphore, #tpu.memory_space<semaphore_mem>>, %arg31: memref<!tpu.dma_semaphore, #tpu.memory_space<semaphore_mem>>, %arg32: memref<!tpu.dma_semaphore, #tpu.memory_space<semaphore_mem>>, %arg33: memref<!tpu.dma_semaphore, #tpu.memory_space<semaphore_mem>>, %arg34: memref<!tpu.dma_semaphore, #tpu.memory_space<semaphore_mem>>, %arg35: memref<!tpu.dma_semaphore, #tpu.memory_space<semaphore_mem>>, %arg36: memref<!tpu.dma_semaphore, #tpu.memory_space<semaphore_mem>>, %arg37: memref<!tpu.dma_semaphore, #tpu.memory_space<semaphore_mem>>) attributes {dimension_semantics = [#tpu.dimension_semantics<core_parallel>, #tpu.dimension_semantics<subcore_parallel>], iteration_bounds = array<i64: 2, 16>, scalar_prefetch = 0 : i64, scratch_operands = 26 : i64, tpu.core_type = #tpu.core_type<sc_vector_subcore>, window_params = [{transform_indices = #map}, {transform_indices = #map}, {transform_indices = #map1}, {transform_indices = #map1}, {transform_indices = #map}, {transform_indices = #map}, {transform_indices = #map2}, {transform_indices = #map2}, {transform_indices = #map}, {transform_indices = #map1}]} {
    %mul3A = arith.constant 2 : i32
    %mul3A_0 = arith.muli %arg1, %mul3A : i32
    %add3A = arith.addi %mul3A_0, %arg0 : i32
    %jit3A = arith.constant 4 : i32
    %div3A = arith.divsi %add3A, %jit3A : i32
    %sign3A = arith.constant 0 : i32
    %sign3A_1 = arith.cmpi sgt, %add3A, %sign3A : i32
    %sign3A_2 = arith.extui %sign3A_1 : i1 to i32
    %sign3A_3 = arith.constant 0 : i32
    %sign3A_4 = arith.cmpi slt, %add3A, %sign3A_3 : i32
    %sign3A_5 = arith.extui %sign3A_4 : i1 to i32
    %sign3A_6 = arith.subi %sign3A_2, %sign3A_5 : i32
    %sign3A_7 = arith.constant 0 : i32
    %sign3A_8 = arith.cmpi sgt, %jit3A, %sign3A_7 : i32
    %sign3A_9 = arith.extui %sign3A_8 : i1 to i32
    %sign3A_10 = arith.constant 0 : i32
    %sign3A_11 = arith.cmpi slt, %jit3A, %sign3A_10 : i32
    %sign3A_12 = arith.extui %sign3A_11 : i1 to i32
    %sign3A_13 = arith.subi %sign3A_9, %sign3A_12 : i32
    %ne3A = arith.cmpi ne, %sign3A_6, %sign3A_13 : i32
    %rem3A = arith.remsi %add3A, %jit3A : i32
    %ne3A_14 = arith.constant 0 : i32
    %ne3A_15 = arith.cmpi ne, %rem3A, %ne3A_14 : i32
    %and3A = arith.andi %ne3A, %ne3A_15 : i1
    %sub3A = arith.constant 1 : i32
    %sub3A_16 = arith.subi %div3A, %sub3A : i32
    %select_n3A = arith.select %and3A, %sub3A_16, %div3A : i32
    %jit3A_17 = arith.constant 4 : i32
    %eq3A = arith.constant 0 : i32
    %eq3A_18 = arith.cmpi eq, %jit3A_17, %eq3A : i32
    %jit3A_19 = arith.constant 1 : i32
    %select_n3A_20 = arith.select %eq3A_18, %jit3A_19, %jit3A_17 : i32
    %rem3A_21 = arith.remsi %add3A, %select_n3A_20 : i32
    %ne3A_22 = arith.constant 0 : i32
    %ne3A_23 = arith.cmpi ne, %rem3A_21, %ne3A_22 : i32
    %lt3A = arith.constant 0 : i32
    %lt3A_24 = arith.cmpi slt, %rem3A_21, %lt3A : i32
    %lt3A_25 = arith.constant 0 : i32
    %lt3A_26 = arith.cmpi slt, %select_n3A_20, %lt3A_25 : i32
    %ne3A_27 = arith.xori %lt3A_24, %lt3A_26 : i1
    %and3A_28 = arith.andi %ne3A_27, %ne3A_23 : i1
    %add3A_29 = arith.addi %rem3A_21, %select_n3A_20 : i32
    %select_n3A_30 = arith.select %and3A_28, %add3A_29, %rem3A_21 : i32
    %mul3A_31 = arith.constant 512 : i32
    %mul3A_32 = arith.muli %select_n3A_30, %mul3A_31 : i32
    %jit3A_33 = arith.constant 4 : i32
    %eq3A_34 = arith.constant 0 : i32
    %eq3A_35 = arith.cmpi eq, %jit3A_33, %eq3A_34 : i32
    %jit3A_36 = arith.constant 1 : i32
    %select_n3A_37 = arith.select %eq3A_35, %jit3A_36, %jit3A_33 : i32
    %rem3A_38 = arith.remsi %add3A, %select_n3A_37 : i32
    %ne3A_39 = arith.constant 0 : i32
    %ne3A_40 = arith.cmpi ne, %rem3A_38, %ne3A_39 : i32
    %lt3A_41 = arith.constant 0 : i32
    %lt3A_42 = arith.cmpi slt, %rem3A_38, %lt3A_41 : i32
    %lt3A_43 = arith.constant 0 : i32
    %lt3A_44 = arith.cmpi slt, %select_n3A_37, %lt3A_43 : i32
    %ne3A_45 = arith.xori %lt3A_42, %lt3A_44 : i1
    %and3A_46 = arith.andi %ne3A_45, %ne3A_40 : i1
    %add3A_47 = arith.addi %rem3A_38, %select_n3A_37 : i32
    %select_n3A_48 = arith.select %and3A_46, %add3A_47, %rem3A_38 : i32
    %mul3A_49 = arith.constant 32 : i32
    %mul3A_50 = arith.muli %select_n3A_48, %mul3A_49 : i32
    %iota3A = tpu.iota {dimensions = array<i32: 0>} : vector<16xi32>
    %broadcast_in_dim3A = arith.constant 0.000000e+00 : f32
    %broadcast_in_dim3A_51 = vector.broadcast %broadcast_in_dim3A : f32 to vector<16xf32>
    %dma_start3A = tpu.memref_slice %arg2[%select_n3A, %mul3A_32] : memref<8x2048xi32, #tpu.memory_space<hbm>> -> memref<1x512xi32, #tpu.memory_space<hbm>>
    %dma_start3A_52 = tpu.memref_squeeze %dma_start3A : memref<1x512xi32, #tpu.memory_space<hbm>> -> memref<512xi32, #tpu.memory_space<hbm>>
    %dma_start3A_53 = tpu.memref_slice %arg2[%select_n3A, %mul3A_32] : memref<8x2048xi32, #tpu.memory_space<hbm>> -> memref<1x512xi32, #tpu.memory_space<hbm>>
    %dma_start3A_54 = tpu.memref_squeeze %dma_start3A_53 : memref<1x512xi32, #tpu.memory_space<hbm>> -> memref<512xi32, #tpu.memory_space<hbm>>
    tpu.enqueue_dma source(%dma_start3A_54 : memref<512xi32, #tpu.memory_space<hbm>>) target(%arg12 : memref<512xi32, #tpu.memory_space<vmem>>) target_semaphore(%arg24 : memref<!tpu.dma_semaphore, #tpu.memory_space<semaphore_mem>>)
    %dma_start3A_55 = tpu.memref_slice %arg6[%select_n3A, %mul3A_50] : memref<8x128xi32, #tpu.memory_space<hbm>> -> memref<1x32xi32, #tpu.memory_space<hbm>>
    %dma_start3A_56 = tpu.memref_squeeze %dma_start3A_55 : memref<1x32xi32, #tpu.memory_space<hbm>> -> memref<32xi32, #tpu.memory_space<hbm>>
    %dma_start3A_57 = tpu.memref_slice %arg6[%select_n3A, %mul3A_50] : memref<8x128xi32, #tpu.memory_space<hbm>> -> memref<1x32xi32, #tpu.memory_space<hbm>>
    %dma_start3A_58 = tpu.memref_squeeze %dma_start3A_57 : memref<1x32xi32, #tpu.memory_space<hbm>> -> memref<32xi32, #tpu.memory_space<hbm>>
    tpu.enqueue_dma source(%dma_start3A_58 : memref<32xi32, #tpu.memory_space<hbm>>) target(%arg13 : memref<32xi32, #tpu.memory_space<vmem>>) target_semaphore(%arg25 : memref<!tpu.dma_semaphore, #tpu.memory_space<semaphore_mem>>)
    %dma_start3A_59 = tpu.memref_slice %arg3[%select_n3A, %mul3A_32] : memref<8x2048xi32, #tpu.memory_space<hbm>> -> memref<1x512xi32, #tpu.memory_space<hbm>>
    %dma_start3A_60 = tpu.memref_squeeze %dma_start3A_59 : memref<1x512xi32, #tpu.memory_space<hbm>> -> memref<512xi32, #tpu.memory_space<hbm>>
    %dma_start3A_61 = tpu.memref_slice %arg3[%select_n3A, %mul3A_32] : memref<8x2048xi32, #tpu.memory_space<hbm>> -> memref<1x512xi32, #tpu.memory_space<hbm>>
    %dma_start3A_62 = tpu.memref_squeeze %dma_start3A_61 : memref<1x512xi32, #tpu.memory_space<hbm>> -> memref<512xi32, #tpu.memory_space<hbm>>
    tpu.enqueue_dma source(%dma_start3A_62 : memref<512xi32, #tpu.memory_space<hbm>>) target(%arg20 : memref<512xi32, #tpu.memory_space<vmem>>) target_semaphore(%arg26 : memref<!tpu.dma_semaphore, #tpu.memory_space<semaphore_mem>>)
    "tpu.region"() ({
      %run_scoped3A = tpu.sem_alloc : memref<!tpu.dma_semaphore, #tpu.memory_space<semaphore_mem>>
      %dma_start3A_229 = arith.constant 0 : i32
      %dma_start3A_230 = tpu.memref_slice %arg21[%dma_start3A_229] : memref<32xi32, #tpu.memory_space<vmem>> -> memref<8xi32, #tpu.memory_space<vmem>>
      %dma_start3A_231 = arith.constant 0 : i32
      %dma_start3A_232 = tpu.memref_slice %arg21[%dma_start3A_231] : memref<32xi32, #tpu.memory_space<vmem>> -> memref<8xi32, #tpu.memory_space<vmem>>
      tpu.enqueue_dma source(%arg4 : memref<8xi32, #tpu.memory_space<hbm>>) target(%dma_start3A_232 : memref<8xi32, #tpu.memory_space<vmem>>) target_semaphore(%run_scoped3A : memref<!tpu.dma_semaphore, #tpu.memory_space<semaphore_mem>>)
      %dma_wait3A_233 = arith.constant 0 : i32
      %dma_wait3A_234 = tpu.memref_slice %arg21[%dma_wait3A_233] : memref<32xi32, #tpu.memory_space<vmem>> -> memref<8xi32, #tpu.memory_space<vmem>>
      %dma_wait3A_235 = arith.constant 0 : i32
      %dma_wait3A_236 = tpu.memref_slice %arg21[%dma_wait3A_235] : memref<32xi32, #tpu.memory_space<vmem>> -> memref<8xi32, #tpu.memory_space<vmem>>
      tpu.wait_dma2 semaphore(%run_scoped3A : memref<!tpu.dma_semaphore, #tpu.memory_space<semaphore_mem>>) src(%arg4 : memref<8xi32, #tpu.memory_space<hbm>>) dst(%dma_wait3A_236 : memref<8xi32, #tpu.memory_space<vmem>>)
      tpu.yield
    }) : () -> ()
    "tpu.region"() ({
      %run_scoped3A = tpu.sem_alloc : memref<!tpu.dma_semaphore, #tpu.memory_space<semaphore_mem>>
      %dma_start3A_229 = arith.constant 0 : i32
      %dma_start3A_230 = tpu.memref_slice %arg22[%dma_start3A_229] : memref<32xi32, #tpu.memory_space<vmem>> -> memref<8xi32, #tpu.memory_space<vmem>>
      %dma_start3A_231 = arith.constant 0 : i32
      %dma_start3A_232 = tpu.memref_slice %arg22[%dma_start3A_231] : memref<32xi32, #tpu.memory_space<vmem>> -> memref<8xi32, #tpu.memory_space<vmem>>
      tpu.enqueue_dma source(%arg5 : memref<8xi32, #tpu.memory_space<hbm>>) target(%dma_start3A_232 : memref<8xi32, #tpu.memory_space<vmem>>) target_semaphore(%run_scoped3A : memref<!tpu.dma_semaphore, #tpu.memory_space<semaphore_mem>>)
      %dma_wait3A_233 = arith.constant 0 : i32
      %dma_wait3A_234 = tpu.memref_slice %arg22[%dma_wait3A_233] : memref<32xi32, #tpu.memory_space<vmem>> -> memref<8xi32, #tpu.memory_space<vmem>>
      %dma_wait3A_235 = arith.constant 0 : i32
      %dma_wait3A_236 = tpu.memref_slice %arg22[%dma_wait3A_235] : memref<32xi32, #tpu.memory_space<vmem>> -> memref<8xi32, #tpu.memory_space<vmem>>
      tpu.wait_dma2 semaphore(%run_scoped3A : memref<!tpu.dma_semaphore, #tpu.memory_space<semaphore_mem>>) src(%arg5 : memref<8xi32, #tpu.memory_space<hbm>>) dst(%dma_wait3A_236 : memref<8xi32, #tpu.memory_space<vmem>>)
      tpu.yield
    }) : () -> ()
    %get3A = arith.index_cast %select_n3A : i32 to index
    %get3A_63 = tpu.vector_load %arg21[%get3A] {strides = array<i32>} : memref<32xi32, #tpu.memory_space<vmem>>, vector<16xi32>,
    %get3A_64 = vector.shape_cast %get3A_63 : vector<16xi32> to vector<16xi32>
    %slice3A = vector.extract_strided_slice %get3A_64 {offsets = [0], sizes = [1], strides = [1]} : vector<16xi32> to vector<1xi32>
    %squeeze3A = vector.extract %slice3A[0] : i32 from vector<1xi32>
    %get3A_65 = arith.index_cast %select_n3A : i32 to index
    %get3A_66 = tpu.vector_load %arg22[%get3A_65] {strides = array<i32>} : memref<32xi32, #tpu.memory_space<vmem>>, vector<16xi32>,
    %get3A_67 = vector.shape_cast %get3A_66 : vector<16xi32> to vector<16xi32>
    %slice3A_68 = vector.extract_strided_slice %get3A_67 {offsets = [0], sizes = [1], strides = [1]} : vector<16xi32> to vector<1xi32>
    %squeeze3A_69 = vector.extract %slice3A_68[0] : i32 from vector<1xi32>
    %sub3A_70 = arith.subi %squeeze3A, %mul3A_32 : i32
    %sub3A_71 = arith.constant 0 : i32
    %sub3A_72 = arith.subi %sub3A_70, %sub3A_71 : i32
    %sub3A_73 = arith.subi %squeeze3A, %mul3A_32 : i32
    %sub3A_74 = arith.constant 128 : i32
    %sub3A_75 = arith.subi %sub3A_73, %sub3A_74 : i32
    %sub3A_76 = arith.subi %squeeze3A, %mul3A_32 : i32
    %sub3A_77 = arith.constant 256 : i32
    %sub3A_78 = arith.subi %sub3A_76, %sub3A_77 : i32
    %sub3A_79 = arith.subi %squeeze3A, %mul3A_32 : i32
    %sub3A_80 = arith.constant 384 : i32
    %sub3A_81 = arith.subi %sub3A_79, %sub3A_80 : i32
    %sub3A_82 = arith.subi %squeeze3A_69, %mul3A_50 : i32
    %dma_wait3A = tpu.memref_slice %arg2[%select_n3A, %mul3A_32] : memref<8x2048xi32, #tpu.memory_space<hbm>> -> memref<1x512xi32, #tpu.memory_space<hbm>>
    %dma_wait3A_83 = tpu.memref_squeeze %dma_wait3A : memref<1x512xi32, #tpu.memory_space<hbm>> -> memref<512xi32, #tpu.memory_space<hbm>>
    %dma_wait3A_84 = tpu.memref_slice %arg2[%select_n3A, %mul3A_32] : memref<8x2048xi32, #tpu.memory_space<hbm>> -> memref<1x512xi32, #tpu.memory_space<hbm>>
    %dma_wait3A_85 = tpu.memref_squeeze %dma_wait3A_84 : memref<1x512xi32, #tpu.memory_space<hbm>> -> memref<512xi32, #tpu.memory_space<hbm>>
    tpu.wait_dma2 semaphore(%arg24 : memref<!tpu.dma_semaphore, #tpu.memory_space<semaphore_mem>>) src(%dma_wait3A_85 : memref<512xi32, #tpu.memory_space<hbm>>) dst(%arg12 : memref<512xi32, #tpu.memory_space<vmem>>)
    %gt3A = arith.constant 0 : i32
    %gt3A_86 = arith.cmpi sgt, %sub3A_72, %gt3A : i32
    %convert_element_type3A = arith.extui %gt3A_86 : i1 to i32
    %cond3A = arith.constant 0 : i32
    %cond3A_87 = arith.cmpi ne, %convert_element_type3A, %cond3A : i32
    scf.if %cond3A_87 {
      %dma_start3A_229 = arith.constant 0 : i32
      %dma_start3A_230 = tpu.memref_slice %arg12[%dma_start3A_229] : memref<512xi32, #tpu.memory_space<vmem>> -> memref<128xi32, #tpu.memory_space<vmem>>
      %dma_start3A_231 = arith.constant 0 : i32
      %dma_start3A_232 = arith.constant 0 : i32
      %dma_start3A_233 = tpu.memref_slice %arg7[%dma_start3A_231, %dma_start3A_232] : memref<100000x128xf32, #tpu.memory_space<hbm>> -> memref<100000x128xf32, #tpu.memory_space<hbm>>
      tpu.enqueue_indirect_dma source(%dma_start3A_233 : memref<100000x128xf32, #tpu.memory_space<hbm>>) target(%arg14 : memref<128x128xf32, #tpu.memory_space<vmem>>) offsets(%dma_start3A_230 : memref<128xi32, #tpu.memory_space<vmem>>) semaphore(%arg30 : memref<!tpu.dma_semaphore, #tpu.memory_space<semaphore_mem>>)
    } else {
    }
    %gt3A_88 = arith.constant 0 : i32
    %gt3A_89 = arith.cmpi sgt, %sub3A_75, %gt3A_88 : i32
    %convert_element_type3A_90 = arith.extui %gt3A_89 : i1 to i32
    %cond3A_91 = arith.constant 0 : i32
    %cond3A_92 = arith.cmpi ne, %convert_element_type3A_90, %cond3A_91 : i32
    scf.if %cond3A_92 {
      %dma_start3A_229 = arith.constant 128 : i32
      %dma_start3A_230 = tpu.memref_slice %arg12[%dma_start3A_229] : memref<512xi32, #tpu.memory_space<vmem>> -> memref<128xi32, #tpu.memory_space<vmem>>
      %dma_start3A_231 = arith.constant 0 : i32
      %dma_start3A_232 = arith.constant 0 : i32
      %dma_start3A_233 = tpu.memref_slice %arg7[%dma_start3A_231, %dma_start3A_232] : memref<100000x128xf32, #tpu.memory_space<hbm>> -> memref<100000x128xf32, #tpu.memory_space<hbm>>
      tpu.enqueue_indirect_dma source(%dma_start3A_233 : memref<100000x128xf32, #tpu.memory_space<hbm>>) target(%arg15 : memref<128x128xf32, #tpu.memory_space<vmem>>) offsets(%dma_start3A_230 : memref<128xi32, #tpu.memory_space<vmem>>) semaphore(%arg31 : memref<!tpu.dma_semaphore, #tpu.memory_space<semaphore_mem>>)
    } else {
    }
    %gt3A_93 = arith.constant 0 : i32
    %gt3A_94 = arith.cmpi sgt, %sub3A_78, %gt3A_93 : i32
    %convert_element_type3A_95 = arith.extui %gt3A_94 : i1 to i32
    %cond3A_96 = arith.constant 0 : i32
    %cond3A_97 = arith.cmpi ne, %convert_element_type3A_95, %cond3A_96 : i32
    scf.if %cond3A_97 {
      %dma_start3A_229 = arith.constant 256 : i32
      %dma_start3A_230 = tpu.memref_slice %arg12[%dma_start3A_229] : memref<512xi32, #tpu.memory_space<vmem>> -> memref<128xi32, #tpu.memory_space<vmem>>
      %dma_start3A_231 = arith.constant 0 : i32
      %dma_start3A_232 = arith.constant 0 : i32
      %dma_start3A_233 = tpu.memref_slice %arg7[%dma_start3A_231, %dma_start3A_232] : memref<100000x128xf32, #tpu.memory_space<hbm>> -> memref<100000x128xf32, #tpu.memory_space<hbm>>
      tpu.enqueue_indirect_dma source(%dma_start3A_233 : memref<100000x128xf32, #tpu.memory_space<hbm>>) target(%arg16 : memref<128x128xf32, #tpu.memory_space<vmem>>) offsets(%dma_start3A_230 : memref<128xi32, #tpu.memory_space<vmem>>) semaphore(%arg32 : memref<!tpu.dma_semaphore, #tpu.memory_space<semaphore_mem>>)
    } else {
    }
    %gt3A_98 = arith.constant 0 : i32
    %gt3A_99 = arith.cmpi sgt, %sub3A_81, %gt3A_98 : i32
    %convert_element_type3A_100 = arith.extui %gt3A_99 : i1 to i32
    %cond3A_101 = arith.constant 0 : i32
    %cond3A_102 = arith.cmpi ne, %convert_element_type3A_100, %cond3A_101 : i32
    scf.if %cond3A_102 {
      %dma_start3A_229 = arith.constant 384 : i32
      %dma_start3A_230 = tpu.memref_slice %arg12[%dma_start3A_229] : memref<512xi32, #tpu.memory_space<vmem>> -> memref<128xi32, #tpu.memory_space<vmem>>
      %dma_start3A_231 = arith.constant 0 : i32
      %dma_start3A_232 = arith.constant 0 : i32
      %dma_start3A_233 = tpu.memref_slice %arg7[%dma_start3A_231, %dma_start3A_232] : memref<100000x128xf32, #tpu.memory_space<hbm>> -> memref<100000x128xf32, #tpu.memory_space<hbm>>
      tpu.enqueue_indirect_dma source(%dma_start3A_233 : memref<100000x128xf32, #tpu.memory_space<hbm>>) target(%arg17 : memref<128x128xf32, #tpu.memory_space<vmem>>) offsets(%dma_start3A_230 : memref<128xi32, #tpu.memory_space<vmem>>) semaphore(%arg33 : memref<!tpu.dma_semaphore, #tpu.memory_space<semaphore_mem>>)
    } else {
    }
    %dma_wait3A_103 = tpu.memref_slice %arg6[%select_n3A, %mul3A_50] : memref<8x128xi32, #tpu.memory_space<hbm>> -> memref<1x32xi32, #tpu.memory_space<hbm>>
    %dma_wait3A_104 = tpu.memref_squeeze %dma_wait3A_103 : memref<1x32xi32, #tpu.memory_space<hbm>> -> memref<32xi32, #tpu.memory_space<hbm>>
    %dma_wait3A_105 = tpu.memref_slice %arg6[%select_n3A, %mul3A_50] : memref<8x128xi32, #tpu.memory_space<hbm>> -> memref<1x32xi32, #tpu.memory_space<hbm>>
    %dma_wait3A_106 = tpu.memref_squeeze %dma_wait3A_105 : memref<1x32xi32, #tpu.memory_space<hbm>> -> memref<32xi32, #tpu.memory_space<hbm>>
    tpu.wait_dma2 semaphore(%arg25 : memref<!tpu.dma_semaphore, #tpu.memory_space<semaphore_mem>>) src(%dma_wait3A_106 : memref<32xi32, #tpu.memory_space<hbm>>) dst(%arg13 : memref<32xi32, #tpu.memory_space<vmem>>)
    %gt3A_107 = arith.constant 0 : i32
    %gt3A_108 = arith.cmpi sgt, %sub3A_82, %gt3A_107 : i32
    %convert_element_type3A_109 = arith.extui %gt3A_108 : i1 to i32
    %cond3A_110 = arith.constant 0 : i32
    %cond3A_111 = arith.cmpi ne, %convert_element_type3A_109, %cond3A_110 : i32
    scf.if %cond3A_111 {
      %dma_start3A_229 = arith.constant 0 : i32
      %dma_start3A_230 = arith.constant 0 : i32
      %dma_start3A_231 = tpu.memref_slice %arg7[%dma_start3A_229, %dma_start3A_230] : memref<100000x128xf32, #tpu.memory_space<hbm>> -> memref<100000x128xf32, #tpu.memory_space<hbm>>
      tpu.enqueue_indirect_dma source(%dma_start3A_231 : memref<100000x128xf32, #tpu.memory_space<hbm>>) target(%arg18 : memref<32x128xf32, #tpu.memory_space<vmem>>) offsets(%arg13 : memref<32xi32, #tpu.memory_space<vmem>>) semaphore(%arg28 : memref<!tpu.dma_semaphore, #tpu.memory_space<semaphore_mem>>)
    } else {
    }
    %sub3A_112 = arith.subi %squeeze3A, %mul3A_32 : i32
    %le3A = arith.constant 384 : i32
    %le3A_113 = arith.cmpi sle, %sub3A_112, %le3A : i32
    %le3A_114 = arith.constant 0 : i32
    %le3A_115 = arith.cmpi sle, %sub3A_82, %le3A_114 : i32
    %or3A = arith.ori %le3A_113, %le3A_115 : i1
    %convert_element_type3A_116 = arith.extui %or3A : i1 to i32
    %cond3A_117 = arith.constant 0 : i32
    %cond3A_118 = arith.cmpi ne, %convert_element_type3A_116, %cond3A_117 : i32
    scf.if %cond3A_118 {
      %scan3A_229 = arith.constant 0 : i32
      %scan3A_230 = arith.constant 0 : i32
      %scan3A_231 = arith.constant 128 : i32
      %scan3A_232 = arith.addi %scan3A_230, %scan3A_231 : i32
      %scan3A_233 = arith.constant 1 : i32
      scf.for %scan3A_235 = %scan3A_230 to %scan3A_232 step %scan3A_233  : i32 {
        %swap3A = arith.index_cast %scan3A_235 : i32 to index
        %swap3A_236 = arith.constant 0 : index
        %swap3A_237 = tpu.vector_load %arg19[%swap3A, %swap3A_236] {strides = array<i32>} : memref<128x128xf32, #tpu.memory_space<vmem>>, vector<1x16xf32>,
        %swap3A_238 = vector.shape_cast %swap3A_237 : vector<1x16xf32> to vector<16xf32>
        %swap3A_239 = vector.shape_cast %broadcast_in_dim3A_51 : vector<16xf32> to vector<1x16xf32>
        tpu.vector_store %arg19[%swap3A, %swap3A_236], %swap3A_239 {strides = array<i32>} : memref<128x128xf32, #tpu.memory_space<vmem>>, vector<1x16xf32>,
        %swap3A_240 = arith.index_cast %scan3A_235 : i32 to index
        %swap3A_241 = arith.constant 16 : index
        %swap3A_242 = tpu.vector_load %arg19[%swap3A_240, %swap3A_241] {strides = array<i32>} : memref<128x128xf32, #tpu.memory_space<vmem>>, vector<1x16xf32>,
        %swap3A_243 = vector.shape_cast %swap3A_242 : vector<1x16xf32> to vector<16xf32>
        %swap3A_244 = vector.shape_cast %broadcast_in_dim3A_51 : vector<16xf32> to vector<1x16xf32>
        tpu.vector_store %arg19[%swap3A_240, %swap3A_241], %swap3A_244 {strides = array<i32>} : memref<128x128xf32, #tpu.memory_space<vmem>>, vector<1x16xf32>,
        %swap3A_245 = arith.index_cast %scan3A_235 : i32 to index
        %swap3A_246 = arith.constant 32 : index
        %swap3A_247 = tpu.vector_load %arg19[%swap3A_245, %swap3A_246] {strides = array<i32>} : memref<128x128xf32, #tpu.memory_space<vmem>>, vector<1x16xf32>,
        %swap3A_248 = vector.shape_cast %swap3A_247 : vector<1x16xf32> to vector<16xf32>
        %swap3A_249 = vector.shape_cast %broadcast_in_dim3A_51 : vector<16xf32> to vector<1x16xf32>
        tpu.vector_store %arg19[%swap3A_245, %swap3A_246], %swap3A_249 {strides = array<i32>} : memref<128x128xf32, #tpu.memory_space<vmem>>, vector<1x16xf32>,
        %swap3A_250 = arith.index_cast %scan3A_235 : i32 to index
        %swap3A_251 = arith.constant 48 : index
        %swap3A_252 = tpu.vector_load %arg19[%swap3A_250, %swap3A_251] {strides = array<i32>} : memref<128x128xf32, #tpu.memory_space<vmem>>, vector<1x16xf32>,
        %swap3A_253 = vector.shape_cast %swap3A_252 : vector<1x16xf32> to vector<16xf32>
        %swap3A_254 = vector.shape_cast %broadcast_in_dim3A_51 : vector<16xf32> to vector<1x16xf32>
        tpu.vector_store %arg19[%swap3A_250, %swap3A_251], %swap3A_254 {strides = array<i32>} : memref<128x128xf32, #tpu.memory_space<vmem>>, vector<1x16xf32>,
        %swap3A_255 = arith.index_cast %scan3A_235 : i32 to index
        %swap3A_256 = arith.constant 64 : index
        %swap3A_257 = tpu.vector_load %arg19[%swap3A_255, %swap3A_256] {strides = array<i32>} : memref<128x128xf32, #tpu.memory_space<vmem>>, vector<1x16xf32>,
        %swap3A_258 = vector.shape_cast %swap3A_257 : vector<1x16xf32> to vector<16xf32>
        %swap3A_259 = vector.shape_cast %broadcast_in_dim3A_51 : vector<16xf32> to vector<1x16xf32>
        tpu.vector_store %arg19[%swap3A_255, %swap3A_256], %swap3A_259 {strides = array<i32>} : memref<128x128xf32, #tpu.memory_space<vmem>>, vector<1x16xf32>,
        %swap3A_260 = arith.index_cast %scan3A_235 : i32 to index
        %swap3A_261 = arith.constant 80 : index
        %swap3A_262 = tpu.vector_load %arg19[%swap3A_260, %swap3A_261] {strides = array<i32>} : memref<128x128xf32, #tpu.memory_space<vmem>>, vector<1x16xf32>,
        %swap3A_263 = vector.shape_cast %swap3A_262 : vector<1x16xf32> to vector<16xf32>
        %swap3A_264 = vector.shape_cast %broadcast_in_dim3A_51 : vector<16xf32> to vector<1x16xf32>
        tpu.vector_store %arg19[%swap3A_260, %swap3A_261], %swap3A_264 {strides = array<i32>} : memref<128x128xf32, #tpu.memory_space<vmem>>, vector<1x16xf32>,
        %swap3A_265 = arith.index_cast %scan3A_235 : i32 to index
        %swap3A_266 = arith.constant 96 : index
        %swap3A_267 = tpu.vector_load %arg19[%swap3A_265, %swap3A_266] {strides = array<i32>} : memref<128x128xf32, #tpu.memory_space<vmem>>, vector<1x16xf32>,
        %swap3A_268 = vector.shape_cast %swap3A_267 : vector<1x16xf32> to vector<16xf32>
        %swap3A_269 = vector.shape_cast %broadcast_in_dim3A_51 : vector<16xf32> to vector<1x16xf32>
        tpu.vector_store %arg19[%swap3A_265, %swap3A_266], %swap3A_269 {strides = array<i32>} : memref<128x128xf32, #tpu.memory_space<vmem>>, vector<1x16xf32>,
        %swap3A_270 = arith.index_cast %scan3A_235 : i32 to index
        %swap3A_271 = arith.constant 112 : index
        %swap3A_272 = tpu.vector_load %arg19[%swap3A_270, %swap3A_271] {strides = array<i32>} : memref<128x128xf32, #tpu.memory_space<vmem>>, vector<1x16xf32>,
        %swap3A_273 = vector.shape_cast %swap3A_272 : vector<1x16xf32> to vector<16xf32>
        %swap3A_274 = vector.shape_cast %broadcast_in_dim3A_51 : vector<16xf32> to vector<1x16xf32>
        tpu.vector_store %arg19[%swap3A_270, %swap3A_271], %swap3A_274 {strides = array<i32>} : memref<128x128xf32, #tpu.memory_space<vmem>>, vector<1x16xf32>,
      }
      %scan3A_234 = arith.constant 128 : i32
    } else {
    }
    %dma_wait3A_119 = tpu.memref_slice %arg3[%select_n3A, %mul3A_32] : memref<8x2048xi32, #tpu.memory_space<hbm>> -> memref<1x512xi32, #tpu.memory_space<hbm>>
    %dma_wait3A_120 = tpu.memref_squeeze %dma_wait3A_119 : memref<1x512xi32, #tpu.memory_space<hbm>> -> memref<512xi32, #tpu.memory_space<hbm>>
    %dma_wait3A_121 = tpu.memref_slice %arg3[%select_n3A, %mul3A_32] : memref<8x2048xi32, #tpu.memory_space<hbm>> -> memref<1x512xi32, #tpu.memory_space<hbm>>
    %dma_wait3A_122 = tpu.memref_squeeze %dma_wait3A_121 : memref<1x512xi32, #tpu.memory_space<hbm>> -> memref<512xi32, #tpu.memory_space<hbm>>
    tpu.wait_dma2 semaphore(%arg26 : memref<!tpu.dma_semaphore, #tpu.memory_space<semaphore_mem>>) src(%dma_wait3A_122 : memref<512xi32, #tpu.memory_space<hbm>>) dst(%arg20 : memref<512xi32, #tpu.memory_space<vmem>>)
    %scan3A = arith.constant 0 : i32
    %scan3A_123 = arith.constant 0 : i32
    %scan3A_124 = arith.constant 32 : i32
    %scan3A_125 = arith.addi %scan3A_123, %scan3A_124 : i32
    %scan3A_126 = arith.constant 1 : i32
    scf.for %scan3A_229 = %scan3A_123 to %scan3A_125 step %scan3A_126  : i32 {
      %mul3A_230 = arith.constant 16 : i32
      %mul3A_231 = arith.muli %scan3A_229, %mul3A_230 : i32
      %get3A_232 = arith.index_cast %mul3A_231 : i32 to index
      %get3A_233 = tpu.vector_load %arg20[%get3A_232] {strides = array<i32>} : memref<512xi32, #tpu.memory_space<vmem>>, vector<16xi32>,
      %get3A_234 = vector.shape_cast %get3A_233 : vector<16xi32> to vector<16xi32>
      %mul3A_235 = arith.constant 16 : i32
      %mul3A_236 = arith.muli %scan3A_229, %mul3A_235 : i32
      %add3A_237 = arith.addi %mul3A_32, %mul3A_236 : i32
      %add3A_238 = vector.broadcast %add3A_237 : i32 to vector<16xi32>
      %add3A_239 = arith.addi %add3A_238, %iota3A : vector<16xi32>
      %lt3A_240 = vector.broadcast %squeeze3A : i32 to vector<16xi32>
      %lt3A_241 = arith.cmpi slt, %add3A_239, %lt3A_240 : vector<16xi32>
      %jit3A_242 = arith.constant 0 : i32
      %broadcast_in_dim3A_243 = vector.broadcast %jit3A_242 : i32 to vector<16xi32>
      %select_n3A_244 = arith.select %lt3A_241, %get3A_234, %broadcast_in_dim3A_243 : vector<16xi1>, vector<16xi32>
      %mul3A_245 = arith.constant 16 : i32
      %mul3A_246 = arith.muli %scan3A_229, %mul3A_245 : i32
      %swap3A = arith.index_cast %mul3A_246 : i32 to index
      %swap3A_247 = tpu.vector_load %arg20[%swap3A] {strides = array<i32>} : memref<512xi32, #tpu.memory_space<vmem>>, vector<16xi32>,
      %swap3A_248 = vector.shape_cast %swap3A_247 : vector<16xi32> to vector<16xi32>
      %swap3A_249 = vector.shape_cast %select_n3A_244 : vector<16xi32> to vector<16xi32>
      tpu.vector_store %arg20[%swap3A], %swap3A_249 {strides = array<i32>} : memref<512xi32, #tpu.memory_space<vmem>>, vector<16xi32>,
    }
    %scan3A_127 = arith.constant 32 : i32
    %dma_start3A_128 = tpu.memref_slice %arg10[%select_n3A, %mul3A_32] : memref<8x2048xi32, #tpu.memory_space<hbm>> -> memref<1x512xi32, #tpu.memory_space<hbm>>
    %dma_start3A_129 = tpu.memref_squeeze %dma_start3A_128 : memref<1x512xi32, #tpu.memory_space<hbm>> -> memref<512xi32, #tpu.memory_space<hbm>>
    %dma_start3A_130 = tpu.memref_slice %arg10[%select_n3A, %mul3A_32] : memref<8x2048xi32, #tpu.memory_space<hbm>> -> memref<1x512xi32, #tpu.memory_space<hbm>>
    %dma_start3A_131 = tpu.memref_squeeze %dma_start3A_130 : memref<1x512xi32, #tpu.memory_space<hbm>> -> memref<512xi32, #tpu.memory_space<hbm>>
    tpu.enqueue_dma source(%arg20 : memref<512xi32, #tpu.memory_space<vmem>>) target(%dma_start3A_131 : memref<512xi32, #tpu.memory_space<hbm>>) target_semaphore(%arg27 : memref<!tpu.dma_semaphore, #tpu.memory_space<semaphore_mem>>)
    %eq3A_132 = arith.constant 0 : i32
    %eq3A_133 = arith.cmpi eq, %add3A, %eq3A_132 : i32
    %convert_element_type3A_134 = arith.extui %eq3A_133 : i1 to i32
    %cond3A_135 = arith.constant 0 : i32
    %cond3A_136 = arith.cmpi ne, %convert_element_type3A_134, %cond3A_135 : i32
    scf.if %cond3A_136 {
      %get3A_229 = arith.constant 0 : index
      %get3A_230 = tpu.vector_load %arg21[%get3A_229] {strides = array<i32>} : memref<32xi32, #tpu.memory_space<vmem>>, vector<16xi32>,
      %get3A_231 = vector.shape_cast %get3A_230 : vector<16xi32> to vector<16xi32>
      %get3A_232 = arith.constant 0 : index
      %get3A_233 = tpu.vector_load %arg22[%get3A_232] {strides = array<i32>} : memref<32xi32, #tpu.memory_space<vmem>>, vector<16xi32>,
      %get3A_234 = vector.shape_cast %get3A_233 : vector<16xi32> to vector<16xi32>
      %slice3A_235 = vector.extract_strided_slice %get3A_231 {offsets = [0], sizes = [1], strides = [1]} : vector<16xi32> to vector<1xi32>
      %squeeze3A_236 = vector.extract %slice3A_235[0] : i32 from vector<1xi32>
      %slice3A_237 = vector.extract_strided_slice %get3A_231 {offsets = [1], sizes = [1], strides = [1]} : vector<16xi32> to vector<1xi32>
      %squeeze3A_238 = vector.extract %slice3A_237[0] : i32 from vector<1xi32>
      %slice3A_239 = vector.extract_strided_slice %get3A_231 {offsets = [2], sizes = [1], strides = [1]} : vector<16xi32> to vector<1xi32>
      %squeeze3A_240 = vector.extract %slice3A_239[0] : i32 from vector<1xi32>
      %slice3A_241 = vector.extract_strided_slice %get3A_231 {offsets = [3], sizes = [1], strides = [1]} : vector<16xi32> to vector<1xi32>
      %squeeze3A_242 = vector.extract %slice3A_241[0] : i32 from vector<1xi32>
      %slice3A_243 = vector.extract_strided_slice %get3A_231 {offsets = [4], sizes = [1], strides = [1]} : vector<16xi32> to vector<1xi32>
      %squeeze3A_244 = vector.extract %slice3A_243[0] : i32 from vector<1xi32>
      %slice3A_245 = vector.extract_strided_slice %get3A_231 {offsets = [5], sizes = [1], strides = [1]} : vector<16xi32> to vector<1xi32>
      %squeeze3A_246 = vector.extract %slice3A_245[0] : i32 from vector<1xi32>
      %slice3A_247 = vector.extract_strided_slice %get3A_231 {offsets = [6], sizes = [1], strides = [1]} : vector<16xi32> to vector<1xi32>
      %squeeze3A_248 = vector.extract %slice3A_247[0] : i32 from vector<1xi32>
      %slice3A_249 = vector.extract_strided_slice %get3A_231 {offsets = [7], sizes = [1], strides = [1]} : vector<16xi32> to vector<1xi32>
      %squeeze3A_250 = vector.extract %slice3A_249[0] : i32 from vector<1xi32>
      %max3A = arith.maxsi %squeeze3A_236, %squeeze3A_238 : i32
      %max3A_251 = arith.maxsi %max3A, %squeeze3A_240 : i32
      %max3A_252 = arith.maxsi %max3A_251, %squeeze3A_242 : i32
      %max3A_253 = arith.maxsi %max3A_252, %squeeze3A_244 : i32
      %max3A_254 = arith.maxsi %max3A_253, %squeeze3A_246 : i32
      %max3A_255 = arith.maxsi %max3A_254, %squeeze3A_248 : i32
      %max3A_256 = arith.maxsi %max3A_255, %squeeze3A_250 : i32
      %slice3A_257 = vector.extract_strided_slice %get3A_234 {offsets = [0], sizes = [1], strides = [1]} : vector<16xi32> to vector<1xi32>
      %squeeze3A_258 = vector.extract %slice3A_257[0] : i32 from vector<1xi32>
      %slice3A_259 = vector.extract_strided_slice %get3A_234 {offsets = [1], sizes = [1], strides = [1]} : vector<16xi32> to vector<1xi32>
      %squeeze3A_260 = vector.extract %slice3A_259[0] : i32 from vector<1xi32>
      %slice3A_261 = vector.extract_strided_slice %get3A_234 {offsets = [2], sizes = [1], strides = [1]} : vector<16xi32> to vector<1xi32>
      %squeeze3A_262 = vector.extract %slice3A_261[0] : i32 from vector<1xi32>
      %slice3A_263 = vector.extract_strided_slice %get3A_234 {offsets = [3], sizes = [1], strides = [1]} : vector<16xi32> to vector<1xi32>
      %squeeze3A_264 = vector.extract %slice3A_263[0] : i32 from vector<1xi32>
      %slice3A_265 = vector.extract_strided_slice %get3A_234 {offsets = [4], sizes = [1], strides = [1]} : vector<16xi32> to vector<1xi32>
      %squeeze3A_266 = vector.extract %slice3A_265[0] : i32 from vector<1xi32>
      %slice3A_267 = vector.extract_strided_slice %get3A_234 {offsets = [5], sizes = [1], strides = [1]} : vector<16xi32> to vector<1xi32>
      %squeeze3A_268 = vector.extract %slice3A_267[0] : i32 from vector<1xi32>
      %slice3A_269 = vector.extract_strided_slice %get3A_234 {offsets = [6], sizes = [1], strides = [1]} : vector<16xi32> to vector<1xi32>
      %squeeze3A_270 = vector.extract %slice3A_269[0] : i32 from vector<1xi32>
      %slice3A_271 = vector.extract_strided_slice %get3A_234 {offsets = [7], sizes = [1], strides = [1]} : vector<16xi32> to vector<1xi32>
      %squeeze3A_272 = vector.extract %slice3A_271[0] : i32 from vector<1xi32>
      %max3A_273 = arith.maxsi %squeeze3A_258, %squeeze3A_260 : i32
      %max3A_274 = arith.maxsi %max3A_273, %squeeze3A_262 : i32
      %max3A_275 = arith.maxsi %max3A_274, %squeeze3A_264 : i32
      %max3A_276 = arith.maxsi %max3A_275, %squeeze3A_266 : i32
      %max3A_277 = arith.maxsi %max3A_276, %squeeze3A_268 : i32
      %max3A_278 = arith.maxsi %max3A_277, %squeeze3A_270 : i32
      %max3A_279 = arith.maxsi %max3A_278, %squeeze3A_272 : i32
      %eq3A_280 = arith.constant 0 : i32
      %eq3A_281 = vector.broadcast %eq3A_280 : i32 to vector<16xi32>
      %eq3A_282 = arith.cmpi eq, %iota3A, %eq3A_281 : vector<16xi32>
      %eq3A_283 = arith.constant 1 : i32
      %eq3A_284 = vector.broadcast %eq3A_283 : i32 to vector<16xi32>
      %eq3A_285 = arith.cmpi eq, %iota3A, %eq3A_284 : vector<16xi32>
      %jit3A_286 = arith.constant 0 : i32
      %broadcast_in_dim3A_287 = vector.broadcast %max3A_279 : i32 to vector<16xi32>
      %broadcast_in_dim3A_288 = vector.broadcast %jit3A_286 : i32 to vector<16xi32>
      %select_n3A_289 = arith.select %eq3A_285, %broadcast_in_dim3A_287, %broadcast_in_dim3A_288 : vector<16xi1>, vector<16xi32>
      %broadcast_in_dim3A_290 = vector.broadcast %max3A_256 : i32 to vector<16xi32>
      %select_n3A_291 = arith.select %eq3A_282, %broadcast_in_dim3A_290, %select_n3A_289 : vector<16xi1>, vector<16xi32>
      %swap3A = arith.constant 0 : index
      %swap3A_292 = tpu.vector_load %arg23[%swap3A] {strides = array<i32>} : memref<16xi32, #tpu.memory_space<vmem>>, vector<16xi32>,
      %swap3A_293 = vector.shape_cast %swap3A_292 : vector<16xi32> to vector<16xi32>
      %swap3A_294 = vector.shape_cast %select_n3A_291 : vector<16xi32> to vector<16xi32>
      tpu.vector_store %arg23[%swap3A], %swap3A_294 {strides = array<i32>} : memref<16xi32, #tpu.memory_space<vmem>>, vector<16xi32>,
      "tpu.region"() ({
        %run_scoped3A = tpu.sem_alloc : memref<!tpu.dma_semaphore, #tpu.memory_space<semaphore_mem>>
        tpu.enqueue_dma source(%arg23 : memref<16xi32, #tpu.memory_space<vmem>>) target(%arg11 : memref<16xi32, #tpu.memory_space<hbm>>) target_semaphore(%run_scoped3A : memref<!tpu.dma_semaphore, #tpu.memory_space<semaphore_mem>>)
        tpu.wait_dma2 semaphore(%run_scoped3A : memref<!tpu.dma_semaphore, #tpu.memory_space<semaphore_mem>>) src(%arg23 : memref<16xi32, #tpu.memory_space<vmem>>) dst(%arg11 : memref<16xi32, #tpu.memory_space<hbm>>)
        tpu.yield
      }) : () -> ()
    } else {
    }
    %gt3A_137 = arith.constant 0 : i32
    %gt3A_138 = arith.cmpi sgt, %sub3A_72, %gt3A_137 : i32
    %convert_element_type3A_139 = arith.extui %gt3A_138 : i1 to i32
    %cond3A_140 = arith.constant 0 : i32
    %cond3A_141 = arith.cmpi ne, %convert_element_type3A_139, %cond3A_140 : i32
    scf.if %cond3A_141 {
      %dma_wait3A_229 = arith.constant 0 : i32
      %dma_wait3A_230 = tpu.memref_slice %arg12[%dma_wait3A_229] : memref<512xi32, #tpu.memory_space<vmem>> -> memref<128xi32, #tpu.memory_space<vmem>>
      %dma_wait3A_231 = arith.constant 0 : i32
      %dma_wait3A_232 = arith.constant 0 : i32
      %dma_wait3A_233 = tpu.memref_slice %arg7[%dma_wait3A_231, %dma_wait3A_232] : memref<100000x128xf32, #tpu.memory_space<hbm>> -> memref<100000x128xf32, #tpu.memory_space<hbm>>
      tpu.wait_indirect_dma semaphore(%arg30 : memref<!tpu.dma_semaphore, #tpu.memory_space<semaphore_mem>>) src(%dma_wait3A_233 : memref<100000x128xf32, #tpu.memory_space<hbm>>) dst(%arg14 : memref<128x128xf32, #tpu.memory_space<vmem>>)
      %max3A = arith.constant 0 : i32
      %max3A_234 = arith.maxsi %sub3A_72, %max3A : i32
      %while3A = arith.constant 0 : i32
      %while3A_235 = arith.constant 128 : i32
      %while3A_236 = arith.subi %while3A_235, %max3A_234 : i32
      %while3A_237 = arith.addi %max3A_234, %while3A_236 : i32
      %while3A_238 = arith.constant 1 : i32
      %while3A_239 = arith.divsi %while3A_236, %while3A_238 : i32
      %while3A_240 = arith.muli %while3A_239, %while3A_238 : i32
      %while3A_241 = arith.addi %max3A_234, %while3A_240 : i32
      %while3A_242 = arith.constant 1 : i32
      scf.for %while3A_252 = %max3A_234 to %while3A_241 step %while3A_242  : i32 {
        %swap3A = arith.index_cast %while3A_252 : i32 to index
        %swap3A_253 = arith.constant 0 : index
        %swap3A_254 = tpu.vector_load %arg14[%swap3A, %swap3A_253] {strides = array<i32>} : memref<128x128xf32, #tpu.memory_space<vmem>>, vector<1x16xf32>,
        %swap3A_255 = vector.shape_cast %swap3A_254 : vector<1x16xf32> to vector<16xf32>
        %swap3A_256 = vector.shape_cast %broadcast_in_dim3A_51 : vector<16xf32> to vector<1x16xf32>
        tpu.vector_store %arg14[%swap3A, %swap3A_253], %swap3A_256 {strides = array<i32>} : memref<128x128xf32, #tpu.memory_space<vmem>>, vector<1x16xf32>,
        %swap3A_257 = arith.index_cast %while3A_252 : i32 to index
        %swap3A_258 = arith.constant 16 : index
        %swap3A_259 = tpu.vector_load %arg14[%swap3A_257, %swap3A_258] {strides = array<i32>} : memref<128x128xf32, #tpu.memory_space<vmem>>, vector<1x16xf32>,
        %swap3A_260 = vector.shape_cast %swap3A_259 : vector<1x16xf32> to vector<16xf32>
        %swap3A_261 = vector.shape_cast %broadcast_in_dim3A_51 : vector<16xf32> to vector<1x16xf32>
        tpu.vector_store %arg14[%swap3A_257, %swap3A_258], %swap3A_261 {strides = array<i32>} : memref<128x128xf32, #tpu.memory_space<vmem>>, vector<1x16xf32>,
        %swap3A_262 = arith.index_cast %while3A_252 : i32 to index
        %swap3A_263 = arith.constant 32 : index
        %swap3A_264 = tpu.vector_load %arg14[%swap3A_262, %swap3A_263] {strides = array<i32>} : memref<128x128xf32, #tpu.memory_space<vmem>>, vector<1x16xf32>,
        %swap3A_265 = vector.shape_cast %swap3A_264 : vector<1x16xf32> to vector<16xf32>
        %swap3A_266 = vector.shape_cast %broadcast_in_dim3A_51 : vector<16xf32> to vector<1x16xf32>
        tpu.vector_store %arg14[%swap3A_262, %swap3A_263], %swap3A_266 {strides = array<i32>} : memref<128x128xf32, #tpu.memory_space<vmem>>, vector<1x16xf32>,
        %swap3A_267 = arith.index_cast %while3A_252 : i32 to index
        %swap3A_268 = arith.constant 48 : index
        %swap3A_269 = tpu.vector_load %arg14[%swap3A_267, %swap3A_268] {strides = array<i32>} : memref<128x128xf32, #tpu.memory_space<vmem>>, vector<1x16xf32>,
        %swap3A_270 = vector.shape_cast %swap3A_269 : vector<1x16xf32> to vector<16xf32>
        %swap3A_271 = vector.shape_cast %broadcast_in_dim3A_51 : vector<16xf32> to vector<1x16xf32>
        tpu.vector_store %arg14[%swap3A_267, %swap3A_268], %swap3A_271 {strides = array<i32>} : memref<128x128xf32, #tpu.memory_space<vmem>>, vector<1x16xf32>,
        %swap3A_272 = arith.index_cast %while3A_252 : i32 to index
        %swap3A_273 = arith.constant 64 : index
        %swap3A_274 = tpu.vector_load %arg14[%swap3A_272, %swap3A_273] {strides = array<i32>} : memref<128x128xf32, #tpu.memory_space<vmem>>, vector<1x16xf32>,
        %swap3A_275 = vector.shape_cast %swap3A_274 : vector<1x16xf32> to vector<16xf32>
        %swap3A_276 = vector.shape_cast %broadcast_in_dim3A_51 : vector<16xf32> to vector<1x16xf32>
        tpu.vector_store %arg14[%swap3A_272, %swap3A_273], %swap3A_276 {strides = array<i32>} : memref<128x128xf32, #tpu.memory_space<vmem>>, vector<1x16xf32>,
        %swap3A_277 = arith.index_cast %while3A_252 : i32 to index
        %swap3A_278 = arith.constant 80 : index
        %swap3A_279 = tpu.vector_load %arg14[%swap3A_277, %swap3A_278] {strides = array<i32>} : memref<128x128xf32, #tpu.memory_space<vmem>>, vector<1x16xf32>,
        %swap3A_280 = vector.shape_cast %swap3A_279 : vector<1x16xf32> to vector<16xf32>
        %swap3A_281 = vector.shape_cast %broadcast_in_dim3A_51 : vector<16xf32> to vector<1x16xf32>
        tpu.vector_store %arg14[%swap3A_277, %swap3A_278], %swap3A_281 {strides = array<i32>} : memref<128x128xf32, #tpu.memory_space<vmem>>, vector<1x16xf32>,
        %swap3A_282 = arith.index_cast %while3A_252 : i32 to index
        %swap3A_283 = arith.constant 96 : index
        %swap3A_284 = tpu.vector_load %arg14[%swap3A_282, %swap3A_283] {strides = array<i32>} : memref<128x128xf32, #tpu.memory_space<vmem>>, vector<1x16xf32>,
        %swap3A_285 = vector.shape_cast %swap3A_284 : vector<1x16xf32> to vector<16xf32>
        %swap3A_286 = vector.shape_cast %broadcast_in_dim3A_51 : vector<16xf32> to vector<1x16xf32>
        tpu.vector_store %arg14[%swap3A_282, %swap3A_283], %swap3A_286 {strides = array<i32>} : memref<128x128xf32, #tpu.memory_space<vmem>>, vector<1x16xf32>,
        %swap3A_287 = arith.index_cast %while3A_252 : i32 to index
        %swap3A_288 = arith.constant 112 : index
        %swap3A_289 = tpu.vector_load %arg14[%swap3A_287, %swap3A_288] {strides = array<i32>} : memref<128x128xf32, #tpu.memory_space<vmem>>, vector<1x16xf32>,
        %swap3A_290 = vector.shape_cast %swap3A_289 : vector<1x16xf32> to vector<16xf32>
        %swap3A_291 = vector.shape_cast %broadcast_in_dim3A_51 : vector<16xf32> to vector<1x16xf32>
        tpu.vector_store %arg14[%swap3A_287, %swap3A_288], %swap3A_291 {strides = array<i32>} : memref<128x128xf32, #tpu.memory_space<vmem>>, vector<1x16xf32>,
      }
      %while3A_243 = arith.constant 1 : i32
      scf.for %while3A_252 = %while3A_241 to %while3A_237 step %while3A_243  : i32 {
        %swap3A = arith.index_cast %while3A_252 : i32 to index
        %swap3A_253 = arith.constant 0 : index
        %swap3A_254 = tpu.vector_load %arg14[%swap3A, %swap3A_253] {strides = array<i32>} : memref<128x128xf32, #tpu.memory_space<vmem>>, vector<1x16xf32>,
        %swap3A_255 = vector.shape_cast %swap3A_254 : vector<1x16xf32> to vector<16xf32>
        %swap3A_256 = vector.shape_cast %broadcast_in_dim3A_51 : vector<16xf32> to vector<1x16xf32>
        tpu.vector_store %arg14[%swap3A, %swap3A_253], %swap3A_256 {strides = array<i32>} : memref<128x128xf32, #tpu.memory_space<vmem>>, vector<1x16xf32>,
        %swap3A_257 = arith.index_cast %while3A_252 : i32 to index
        %swap3A_258 = arith.constant 16 : index
        %swap3A_259 = tpu.vector_load %arg14[%swap3A_257, %swap3A_258] {strides = array<i32>} : memref<128x128xf32, #tpu.memory_space<vmem>>, vector<1x16xf32>,
        %swap3A_260 = vector.shape_cast %swap3A_259 : vector<1x16xf32> to vector<16xf32>
        %swap3A_261 = vector.shape_cast %broadcast_in_dim3A_51 : vector<16xf32> to vector<1x16xf32>
        tpu.vector_store %arg14[%swap3A_257, %swap3A_258], %swap3A_261 {strides = array<i32>} : memref<128x128xf32, #tpu.memory_space<vmem>>, vector<1x16xf32>,
        %swap3A_262 = arith.index_cast %while3A_252 : i32 to index
        %swap3A_263 = arith.constant 32 : index
        %swap3A_264 = tpu.vector_load %arg14[%swap3A_262, %swap3A_263] {strides = array<i32>} : memref<128x128xf32, #tpu.memory_space<vmem>>, vector<1x16xf32>,
        %swap3A_265 = vector.shape_cast %swap3A_264 : vector<1x16xf32> to vector<16xf32>
        %swap3A_266 = vector.shape_cast %broadcast_in_dim3A_51 : vector<16xf32> to vector<1x16xf32>
        tpu.vector_store %arg14[%swap3A_262, %swap3A_263], %swap3A_266 {strides = array<i32>} : memref<128x128xf32, #tpu.memory_space<vmem>>, vector<1x16xf32>,
        %swap3A_267 = arith.index_cast %while3A_252 : i32 to index
        %swap3A_268 = arith.constant 48 : index
        %swap3A_269 = tpu.vector_load %arg14[%swap3A_267, %swap3A_268] {strides = array<i32>} : memref<128x128xf32, #tpu.memory_space<vmem>>, vector<1x16xf32>,
        %swap3A_270 = vector.shape_cast %swap3A_269 : vector<1x16xf32> to vector<16xf32>
        %swap3A_271 = vector.shape_cast %broadcast_in_dim3A_51 : vector<16xf32> to vector<1x16xf32>
        tpu.vector_store %arg14[%swap3A_267, %swap3A_268], %swap3A_271 {strides = array<i32>} : memref<128x128xf32, #tpu.memory_space<vmem>>, vector<1x16xf32>,
        %swap3A_272 = arith.index_cast %while3A_252 : i32 to index
        %swap3A_273 = arith.constant 64 : index
        %swap3A_274 = tpu.vector_load %arg14[%swap3A_272, %swap3A_273] {strides = array<i32>} : memref<128x128xf32, #tpu.memory_space<vmem>>, vector<1x16xf32>,
        %swap3A_275 = vector.shape_cast %swap3A_274 : vector<1x16xf32> to vector<16xf32>
        %swap3A_276 = vector.shape_cast %broadcast_in_dim3A_51 : vector<16xf32> to vector<1x16xf32>
        tpu.vector_store %arg14[%swap3A_272, %swap3A_273], %swap3A_276 {strides = array<i32>} : memref<128x128xf32, #tpu.memory_space<vmem>>, vector<1x16xf32>,
        %swap3A_277 = arith.index_cast %while3A_252 : i32 to index
        %swap3A_278 = arith.constant 80 : index
        %swap3A_279 = tpu.vector_load %arg14[%swap3A_277, %swap3A_278] {strides = array<i32>} : memref<128x128xf32, #tpu.memory_space<vmem>>, vector<1x16xf32>,
        %swap3A_280 = vector.shape_cast %swap3A_279 : vector<1x16xf32> to vector<16xf32>
        %swap3A_281 = vector.shape_cast %broadcast_in_dim3A_51 : vector<16xf32> to vector<1x16xf32>
        tpu.vector_store %arg14[%swap3A_277, %swap3A_278], %swap3A_281 {strides = array<i32>} : memref<128x128xf32, #tpu.memory_space<vmem>>, vector<1x16xf32>,
        %swap3A_282 = arith.index_cast %while3A_252 : i32 to index
        %swap3A_283 = arith.constant 96 : index
        %swap3A_284 = tpu.vector_load %arg14[%swap3A_282, %swap3A_283] {strides = array<i32>} : memref<128x128xf32, #tpu.memory_space<vmem>>, vector<1x16xf32>,
        %swap3A_285 = vector.shape_cast %swap3A_284 : vector<1x16xf32> to vector<16xf32>
        %swap3A_286 = vector.shape_cast %broadcast_in_dim3A_51 : vector<16xf32> to vector<1x16xf32>
        tpu.vector_store %arg14[%swap3A_282, %swap3A_283], %swap3A_286 {strides = array<i32>} : memref<128x128xf32, #tpu.memory_space<vmem>>, vector<1x16xf32>,
        %swap3A_287 = arith.index_cast %while3A_252 : i32 to index
        %swap3A_288 = arith.constant 112 : index
        %swap3A_289 = tpu.vector_load %arg14[%swap3A_287, %swap3A_288] {strides = array<i32>} : memref<128x128xf32, #tpu.memory_space<vmem>>, vector<1x16xf32>,
        %swap3A_290 = vector.shape_cast %swap3A_289 : vector<1x16xf32> to vector<16xf32>
        %swap3A_291 = vector.shape_cast %broadcast_in_dim3A_51 : vector<16xf32> to vector<1x16xf32>
        tpu.vector_store %arg14[%swap3A_287, %swap3A_288], %swap3A_291 {strides = array<i32>} : memref<128x128xf32, #tpu.memory_space<vmem>>, vector<1x16xf32>,
      }
      %add3A_244 = arith.constant 0 : i32
      %add3A_245 = arith.addi %mul3A_32, %add3A_244 : i32
      %dma_start3A_246 = arith.constant 0 : i32
      %dma_start3A_247 = tpu.memref_slice %arg8[%select_n3A, %add3A_245, %dma_start3A_246] : memref<8x2048x128xf32, #tpu.memory_space<hbm>> -> memref<1x128x128xf32, #tpu.memory_space<hbm>>
      %dma_start3A_248 = tpu.memref_squeeze %dma_start3A_247 : memref<1x128x128xf32, #tpu.memory_space<hbm>> -> memref<128x128xf32, #tpu.memory_space<hbm>>
      %dma_start3A_249 = arith.constant 0 : i32
      %dma_start3A_250 = tpu.memref_slice %arg8[%select_n3A, %add3A_245, %dma_start3A_249] : memref<8x2048x128xf32, #tpu.memory_space<hbm>> -> memref<1x128x128xf32, #tpu.memory_space<hbm>>
      %dma_start3A_251 = tpu.memref_squeeze %dma_start3A_250 : memref<1x128x128xf32, #tpu.memory_space<hbm>> -> memref<128x128xf32, #tpu.memory_space<hbm>>
      tpu.enqueue_dma source(%arg14 : memref<128x128xf32, #tpu.memory_space<vmem>>) target(%dma_start3A_251 : memref<128x128xf32, #tpu.memory_space<hbm>>) target_semaphore(%arg34 : memref<!tpu.dma_semaphore, #tpu.memory_space<semaphore_mem>>)
    } else {
    }
    %le3A_142 = arith.constant 0 : i32
    %le3A_143 = arith.cmpi sle, %sub3A_72, %le3A_142 : i32
    %convert_element_type3A_144 = arith.extui %le3A_143 : i1 to i32
    %cond3A_145 = arith.constant 0 : i32
    %cond3A_146 = arith.cmpi ne, %convert_element_type3A_144, %cond3A_145 : i32
    scf.if %cond3A_146 {
      %add3A_229 = arith.constant 0 : i32
      %add3A_230 = arith.addi %mul3A_32, %add3A_229 : i32
      %dma_start3A_231 = arith.constant 0 : i32
      %dma_start3A_232 = tpu.memref_slice %arg8[%select_n3A, %add3A_230, %dma_start3A_231] : memref<8x2048x128xf32, #tpu.memory_space<hbm>> -> memref<1x128x128xf32, #tpu.memory_space<hbm>>
      %dma_start3A_233 = tpu.memref_squeeze %dma_start3A_232 : memref<1x128x128xf32, #tpu.memory_space<hbm>> -> memref<128x128xf32, #tpu.memory_space<hbm>>
      %dma_start3A_234 = arith.constant 0 : i32
      %dma_start3A_235 = tpu.memref_slice %arg8[%select_n3A, %add3A_230, %dma_start3A_234] : memref<8x2048x128xf32, #tpu.memory_space<hbm>> -> memref<1x128x128xf32, #tpu.memory_space<hbm>>
      %dma_start3A_236 = tpu.memref_squeeze %dma_start3A_235 : memref<1x128x128xf32, #tpu.memory_space<hbm>> -> memref<128x128xf32, #tpu.memory_space<hbm>>
      tpu.enqueue_dma source(%arg19 : memref<128x128xf32, #tpu.memory_space<vmem>>) target(%dma_start3A_236 : memref<128x128xf32, #tpu.memory_space<hbm>>) target_semaphore(%arg34 : memref<!tpu.dma_semaphore, #tpu.memory_space<semaphore_mem>>)
    } else {
    }
    %gt3A_147 = arith.constant 0 : i32
    %gt3A_148 = arith.cmpi sgt, %sub3A_75, %gt3A_147 : i32
    %convert_element_type3A_149 = arith.extui %gt3A_148 : i1 to i32
    %cond3A_150 = arith.constant 0 : i32
    %cond3A_151 = arith.cmpi ne, %convert_element_type3A_149, %cond3A_150 : i32
    scf.if %cond3A_151 {
      %dma_wait3A_229 = arith.constant 128 : i32
      %dma_wait3A_230 = tpu.memref_slice %arg12[%dma_wait3A_229] : memref<512xi32, #tpu.memory_space<vmem>> -> memref<128xi32, #tpu.memory_space<vmem>>
      %dma_wait3A_231 = arith.constant 0 : i32
      %dma_wait3A_232 = arith.constant 0 : i32
      %dma_wait3A_233 = tpu.memref_slice %arg7[%dma_wait3A_231, %dma_wait3A_232] : memref<100000x128xf32, #tpu.memory_space<hbm>> -> memref<100000x128xf32, #tpu.memory_space<hbm>>
      tpu.wait_indirect_dma semaphore(%arg31 : memref<!tpu.dma_semaphore, #tpu.memory_space<semaphore_mem>>) src(%dma_wait3A_233 : memref<100000x128xf32, #tpu.memory_space<hbm>>) dst(%arg15 : memref<128x128xf32, #tpu.memory_space<vmem>>)
      %max3A = arith.constant 0 : i32
      %max3A_234 = arith.maxsi %sub3A_75, %max3A : i32
      %while3A = arith.constant 0 : i32
      %while3A_235 = arith.constant 128 : i32
      %while3A_236 = arith.subi %while3A_235, %max3A_234 : i32
      %while3A_237 = arith.addi %max3A_234, %while3A_236 : i32
      %while3A_238 = arith.constant 1 : i32
      %while3A_239 = arith.divsi %while3A_236, %while3A_238 : i32
      %while3A_240 = arith.muli %while3A_239, %while3A_238 : i32
      %while3A_241 = arith.addi %max3A_234, %while3A_240 : i32
      %while3A_242 = arith.constant 1 : i32
      scf.for %while3A_252 = %max3A_234 to %while3A_241 step %while3A_242  : i32 {
        %swap3A = arith.index_cast %while3A_252 : i32 to index
        %swap3A_253 = arith.constant 0 : index
        %swap3A_254 = tpu.vector_load %arg15[%swap3A, %swap3A_253] {strides = array<i32>} : memref<128x128xf32, #tpu.memory_space<vmem>>, vector<1x16xf32>,
        %swap3A_255 = vector.shape_cast %swap3A_254 : vector<1x16xf32> to vector<16xf32>
        %swap3A_256 = vector.shape_cast %broadcast_in_dim3A_51 : vector<16xf32> to vector<1x16xf32>
        tpu.vector_store %arg15[%swap3A, %swap3A_253], %swap3A_256 {strides = array<i32>} : memref<128x128xf32, #tpu.memory_space<vmem>>, vector<1x16xf32>,
        %swap3A_257 = arith.index_cast %while3A_252 : i32 to index
        %swap3A_258 = arith.constant 16 : index
        %swap3A_259 = tpu.vector_load %arg15[%swap3A_257, %swap3A_258] {strides = array<i32>} : memref<128x128xf32, #tpu.memory_space<vmem>>, vector<1x16xf32>,
        %swap3A_260 = vector.shape_cast %swap3A_259 : vector<1x16xf32> to vector<16xf32>
        %swap3A_261 = vector.shape_cast %broadcast_in_dim3A_51 : vector<16xf32> to vector<1x16xf32>
        tpu.vector_store %arg15[%swap3A_257, %swap3A_258], %swap3A_261 {strides = array<i32>} : memref<128x128xf32, #tpu.memory_space<vmem>>, vector<1x16xf32>,
        %swap3A_262 = arith.index_cast %while3A_252 : i32 to index
        %swap3A_263 = arith.constant 32 : index
        %swap3A_264 = tpu.vector_load %arg15[%swap3A_262, %swap3A_263] {strides = array<i32>} : memref<128x128xf32, #tpu.memory_space<vmem>>, vector<1x16xf32>,
        %swap3A_265 = vector.shape_cast %swap3A_264 : vector<1x16xf32> to vector<16xf32>
        %swap3A_266 = vector.shape_cast %broadcast_in_dim3A_51 : vector<16xf32> to vector<1x16xf32>
        tpu.vector_store %arg15[%swap3A_262, %swap3A_263], %swap3A_266 {strides = array<i32>} : memref<128x128xf32, #tpu.memory_space<vmem>>, vector<1x16xf32>,
        %swap3A_267 = arith.index_cast %while3A_252 : i32 to index
        %swap3A_268 = arith.constant 48 : index
        %swap3A_269 = tpu.vector_load %arg15[%swap3A_267, %swap3A_268] {strides = array<i32>} : memref<128x128xf32, #tpu.memory_space<vmem>>, vector<1x16xf32>,
        %swap3A_270 = vector.shape_cast %swap3A_269 : vector<1x16xf32> to vector<16xf32>
        %swap3A_271 = vector.shape_cast %broadcast_in_dim3A_51 : vector<16xf32> to vector<1x16xf32>
        tpu.vector_store %arg15[%swap3A_267, %swap3A_268], %swap3A_271 {strides = array<i32>} : memref<128x128xf32, #tpu.memory_space<vmem>>, vector<1x16xf32>,
        %swap3A_272 = arith.index_cast %while3A_252 : i32 to index
        %swap3A_273 = arith.constant 64 : index
        %swap3A_274 = tpu.vector_load %arg15[%swap3A_272, %swap3A_273] {strides = array<i32>} : memref<128x128xf32, #tpu.memory_space<vmem>>, vector<1x16xf32>,
        %swap3A_275 = vector.shape_cast %swap3A_274 : vector<1x16xf32> to vector<16xf32>
        %swap3A_276 = vector.shape_cast %broadcast_in_dim3A_51 : vector<16xf32> to vector<1x16xf32>
        tpu.vector_store %arg15[%swap3A_272, %swap3A_273], %swap3A_276 {strides = array<i32>} : memref<128x128xf32, #tpu.memory_space<vmem>>, vector<1x16xf32>,
        %swap3A_277 = arith.index_cast %while3A_252 : i32 to index
        %swap3A_278 = arith.constant 80 : index
        %swap3A_279 = tpu.vector_load %arg15[%swap3A_277, %swap3A_278] {strides = array<i32>} : memref<128x128xf32, #tpu.memory_space<vmem>>, vector<1x16xf32>,
        %swap3A_280 = vector.shape_cast %swap3A_279 : vector<1x16xf32> to vector<16xf32>
        %swap3A_281 = vector.shape_cast %broadcast_in_dim3A_51 : vector<16xf32> to vector<1x16xf32>
        tpu.vector_store %arg15[%swap3A_277, %swap3A_278], %swap3A_281 {strides = array<i32>} : memref<128x128xf32, #tpu.memory_space<vmem>>, vector<1x16xf32>,
        %swap3A_282 = arith.index_cast %while3A_252 : i32 to index
        %swap3A_283 = arith.constant 96 : index
        %swap3A_284 = tpu.vector_load %arg15[%swap3A_282, %swap3A_283] {strides = array<i32>} : memref<128x128xf32, #tpu.memory_space<vmem>>, vector<1x16xf32>,
        %swap3A_285 = vector.shape_cast %swap3A_284 : vector<1x16xf32> to vector<16xf32>
        %swap3A_286 = vector.shape_cast %broadcast_in_dim3A_51 : vector<16xf32> to vector<1x16xf32>
        tpu.vector_store %arg15[%swap3A_282, %swap3A_283], %swap3A_286 {strides = array<i32>} : memref<128x128xf32, #tpu.memory_space<vmem>>, vector<1x16xf32>,
        %swap3A_287 = arith.index_cast %while3A_252 : i32 to index
        %swap3A_288 = arith.constant 112 : index
        %swap3A_289 = tpu.vector_load %arg15[%swap3A_287, %swap3A_288] {strides = array<i32>} : memref<128x128xf32, #tpu.memory_space<vmem>>, vector<1x16xf32>,
        %swap3A_290 = vector.shape_cast %swap3A_289 : vector<1x16xf32> to vector<16xf32>
        %swap3A_291 = vector.shape_cast %broadcast_in_dim3A_51 : vector<16xf32> to vector<1x16xf32>
        tpu.vector_store %arg15[%swap3A_287, %swap3A_288], %swap3A_291 {strides = array<i32>} : memref<128x128xf32, #tpu.memory_space<vmem>>, vector<1x16xf32>,
      }
      %while3A_243 = arith.constant 1 : i32
      scf.for %while3A_252 = %while3A_241 to %while3A_237 step %while3A_243  : i32 {
        %swap3A = arith.index_cast %while3A_252 : i32 to index
        %swap3A_253 = arith.constant 0 : index
        %swap3A_254 = tpu.vector_load %arg15[%swap3A, %swap3A_253] {strides = array<i32>} : memref<128x128xf32, #tpu.memory_space<vmem>>, vector<1x16xf32>,
        %swap3A_255 = vector.shape_cast %swap3A_254 : vector<1x16xf32> to vector<16xf32>
        %swap3A_256 = vector.shape_cast %broadcast_in_dim3A_51 : vector<16xf32> to vector<1x16xf32>
        tpu.vector_store %arg15[%swap3A, %swap3A_253], %swap3A_256 {strides = array<i32>} : memref<128x128xf32, #tpu.memory_space<vmem>>, vector<1x16xf32>,
        %swap3A_257 = arith.index_cast %while3A_252 : i32 to index
        %swap3A_258 = arith.constant 16 : index
        %swap3A_259 = tpu.vector_load %arg15[%swap3A_257, %swap3A_258] {strides = array<i32>} : memref<128x128xf32, #tpu.memory_space<vmem>>, vector<1x16xf32>,
        %swap3A_260 = vector.shape_cast %swap3A_259 : vector<1x16xf32> to vector<16xf32>
        %swap3A_261 = vector.shape_cast %broadcast_in_dim3A_51 : vector<16xf32> to vector<1x16xf32>
        tpu.vector_store %arg15[%swap3A_257, %swap3A_258], %swap3A_261 {strides = array<i32>} : memref<128x128xf32, #tpu.memory_space<vmem>>, vector<1x16xf32>,
        %swap3A_262 = arith.index_cast %while3A_252 : i32 to index
        %swap3A_263 = arith.constant 32 : index
        %swap3A_264 = tpu.vector_load %arg15[%swap3A_262, %swap3A_263] {strides = array<i32>} : memref<128x128xf32, #tpu.memory_space<vmem>>, vector<1x16xf32>,
        %swap3A_265 = vector.shape_cast %swap3A_264 : vector<1x16xf32> to vector<16xf32>
        %swap3A_266 = vector.shape_cast %broadcast_in_dim3A_51 : vector<16xf32> to vector<1x16xf32>
        tpu.vector_store %arg15[%swap3A_262, %swap3A_263], %swap3A_266 {strides = array<i32>} : memref<128x128xf32, #tpu.memory_space<vmem>>, vector<1x16xf32>,
        %swap3A_267 = arith.index_cast %while3A_252 : i32 to index
        %swap3A_268 = arith.constant 48 : index
        %swap3A_269 = tpu.vector_load %arg15[%swap3A_267, %swap3A_268] {strides = array<i32>} : memref<128x128xf32, #tpu.memory_space<vmem>>, vector<1x16xf32>,
        %swap3A_270 = vector.shape_cast %swap3A_269 : vector<1x16xf32> to vector<16xf32>
        %swap3A_271 = vector.shape_cast %broadcast_in_dim3A_51 : vector<16xf32> to vector<1x16xf32>
        tpu.vector_store %arg15[%swap3A_267, %swap3A_268], %swap3A_271 {strides = array<i32>} : memref<128x128xf32, #tpu.memory_space<vmem>>, vector<1x16xf32>,
        %swap3A_272 = arith.index_cast %while3A_252 : i32 to index
        %swap3A_273 = arith.constant 64 : index
        %swap3A_274 = tpu.vector_load %arg15[%swap3A_272, %swap3A_273] {strides = array<i32>} : memref<128x128xf32, #tpu.memory_space<vmem>>, vector<1x16xf32>,
        %swap3A_275 = vector.shape_cast %swap3A_274 : vector<1x16xf32> to vector<16xf32>
        %swap3A_276 = vector.shape_cast %broadcast_in_dim3A_51 : vector<16xf32> to vector<1x16xf32>
        tpu.vector_store %arg15[%swap3A_272, %swap3A_273], %swap3A_276 {strides = array<i32>} : memref<128x128xf32, #tpu.memory_space<vmem>>, vector<1x16xf32>,
        %swap3A_277 = arith.index_cast %while3A_252 : i32 to index
        %swap3A_278 = arith.constant 80 : index
        %swap3A_279 = tpu.vector_load %arg15[%swap3A_277, %swap3A_278] {strides = array<i32>} : memref<128x128xf32, #tpu.memory_space<vmem>>, vector<1x16xf32>,
        %swap3A_280 = vector.shape_cast %swap3A_279 : vector<1x16xf32> to vector<16xf32>
        %swap3A_281 = vector.shape_cast %broadcast_in_dim3A_51 : vector<16xf32> to vector<1x16xf32>
        tpu.vector_store %arg15[%swap3A_277, %swap3A_278], %swap3A_281 {strides = array<i32>} : memref<128x128xf32, #tpu.memory_space<vmem>>, vector<1x16xf32>,
        %swap3A_282 = arith.index_cast %while3A_252 : i32 to index
        %swap3A_283 = arith.constant 96 : index
        %swap3A_284 = tpu.vector_load %arg15[%swap3A_282, %swap3A_283] {strides = array<i32>} : memref<128x128xf32, #tpu.memory_space<vmem>>, vector<1x16xf32>,
        %swap3A_285 = vector.shape_cast %swap3A_284 : vector<1x16xf32> to vector<16xf32>
        %swap3A_286 = vector.shape_cast %broadcast_in_dim3A_51 : vector<16xf32> to vector<1x16xf32>
        tpu.vector_store %arg15[%swap3A_282, %swap3A_283], %swap3A_286 {strides = array<i32>} : memref<128x128xf32, #tpu.memory_space<vmem>>, vector<1x16xf32>,
        %swap3A_287 = arith.index_cast %while3A_252 : i32 to index
        %swap3A_288 = arith.constant 112 : index
        %swap3A_289 = tpu.vector_load %arg15[%swap3A_287, %swap3A_288] {strides = array<i32>} : memref<128x128xf32, #tpu.memory_space<vmem>>, vector<1x16xf32>,
        %swap3A_290 = vector.shape_cast %swap3A_289 : vector<1x16xf32> to vector<16xf32>
        %swap3A_291 = vector.shape_cast %broadcast_in_dim3A_51 : vector<16xf32> to vector<1x16xf32>
        tpu.vector_store %arg15[%swap3A_287, %swap3A_288], %swap3A_291 {strides = array<i32>} : memref<128x128xf32, #tpu.memory_space<vmem>>, vector<1x16xf32>,
      }
      %add3A_244 = arith.constant 128 : i32
      %add3A_245 = arith.addi %mul3A_32, %add3A_244 : i32
      %dma_start3A_246 = arith.constant 0 : i32
      %dma_start3A_247 = tpu.memref_slice %arg8[%select_n3A, %add3A_245, %dma_start3A_246] : memref<8x2048x128xf32, #tpu.memory_space<hbm>> -> memref<1x128x128xf32, #tpu.memory_space<hbm>>
      %dma_start3A_248 = tpu.memref_squeeze %dma_start3A_247 : memref<1x128x128xf32, #tpu.memory_space<hbm>> -> memref<128x128xf32, #tpu.memory_space<hbm>>
      %dma_start3A_249 = arith.constant 0 : i32
      %dma_start3A_250 = tpu.memref_slice %arg8[%select_n3A, %add3A_245, %dma_start3A_249] : memref<8x2048x128xf32, #tpu.memory_space<hbm>> -> memref<1x128x128xf32, #tpu.memory_space<hbm>>
      %dma_start3A_251 = tpu.memref_squeeze %dma_start3A_250 : memref<1x128x128xf32, #tpu.memory_space<hbm>> -> memref<128x128xf32, #tpu.memory_space<hbm>>
      tpu.enqueue_dma source(%arg15 : memref<128x128xf32, #tpu.memory_space<vmem>>) target(%dma_start3A_251 : memref<128x128xf32, #tpu.memory_space<hbm>>) target_semaphore(%arg35 : memref<!tpu.dma_semaphore, #tpu.memory_space<semaphore_mem>>)
    } else {
    }
    %le3A_152 = arith.constant 0 : i32
    %le3A_153 = arith.cmpi sle, %sub3A_75, %le3A_152 : i32
    %convert_element_type3A_154 = arith.extui %le3A_153 : i1 to i32
    %cond3A_155 = arith.constant 0 : i32
    %cond3A_156 = arith.cmpi ne, %convert_element_type3A_154, %cond3A_155 : i32
    scf.if %cond3A_156 {
      %add3A_229 = arith.constant 128 : i32
      %add3A_230 = arith.addi %mul3A_32, %add3A_229 : i32
      %dma_start3A_231 = arith.constant 0 : i32
      %dma_start3A_232 = tpu.memref_slice %arg8[%select_n3A, %add3A_230, %dma_start3A_231] : memref<8x2048x128xf32, #tpu.memory_space<hbm>> -> memref<1x128x128xf32, #tpu.memory_space<hbm>>
      %dma_start3A_233 = tpu.memref_squeeze %dma_start3A_232 : memref<1x128x128xf32, #tpu.memory_space<hbm>> -> memref<128x128xf32, #tpu.memory_space<hbm>>
      %dma_start3A_234 = arith.constant 0 : i32
      %dma_start3A_235 = tpu.memref_slice %arg8[%select_n3A, %add3A_230, %dma_start3A_234] : memref<8x2048x128xf32, #tpu.memory_space<hbm>> -> memref<1x128x128xf32, #tpu.memory_space<hbm>>
      %dma_start3A_236 = tpu.memref_squeeze %dma_start3A_235 : memref<1x128x128xf32, #tpu.memory_space<hbm>> -> memref<128x128xf32, #tpu.memory_space<hbm>>
      tpu.enqueue_dma source(%arg19 : memref<128x128xf32, #tpu.memory_space<vmem>>) target(%dma_start3A_236 : memref<128x128xf32, #tpu.memory_space<hbm>>) target_semaphore(%arg35 : memref<!tpu.dma_semaphore, #tpu.memory_space<semaphore_mem>>)
    } else {
    }
    %gt3A_157 = arith.constant 0 : i32
    %gt3A_158 = arith.cmpi sgt, %sub3A_78, %gt3A_157 : i32
    %convert_element_type3A_159 = arith.extui %gt3A_158 : i1 to i32
    %cond3A_160 = arith.constant 0 : i32
    %cond3A_161 = arith.cmpi ne, %convert_element_type3A_159, %cond3A_160 : i32
    scf.if %cond3A_161 {
      %dma_wait3A_229 = arith.constant 256 : i32
      %dma_wait3A_230 = tpu.memref_slice %arg12[%dma_wait3A_229] : memref<512xi32, #tpu.memory_space<vmem>> -> memref<128xi32, #tpu.memory_space<vmem>>
      %dma_wait3A_231 = arith.constant 0 : i32
      %dma_wait3A_232 = arith.constant 0 : i32
      %dma_wait3A_233 = tpu.memref_slice %arg7[%dma_wait3A_231, %dma_wait3A_232] : memref<100000x128xf32, #tpu.memory_space<hbm>> -> memref<100000x128xf32, #tpu.memory_space<hbm>>
      tpu.wait_indirect_dma semaphore(%arg32 : memref<!tpu.dma_semaphore, #tpu.memory_space<semaphore_mem>>) src(%dma_wait3A_233 : memref<100000x128xf32, #tpu.memory_space<hbm>>) dst(%arg16 : memref<128x128xf32, #tpu.memory_space<vmem>>)
      %max3A = arith.constant 0 : i32
      %max3A_234 = arith.maxsi %sub3A_78, %max3A : i32
      %while3A = arith.constant 0 : i32
      %while3A_235 = arith.constant 128 : i32
      %while3A_236 = arith.subi %while3A_235, %max3A_234 : i32
      %while3A_237 = arith.addi %max3A_234, %while3A_236 : i32
      %while3A_238 = arith.constant 1 : i32
      %while3A_239 = arith.divsi %while3A_236, %while3A_238 : i32
      %while3A_240 = arith.muli %while3A_239, %while3A_238 : i32
      %while3A_241 = arith.addi %max3A_234, %while3A_240 : i32
      %while3A_242 = arith.constant 1 : i32
      scf.for %while3A_252 = %max3A_234 to %while3A_241 step %while3A_242  : i32 {
        %swap3A = arith.index_cast %while3A_252 : i32 to index
        %swap3A_253 = arith.constant 0 : index
        %swap3A_254 = tpu.vector_load %arg16[%swap3A, %swap3A_253] {strides = array<i32>} : memref<128x128xf32, #tpu.memory_space<vmem>>, vector<1x16xf32>,
        %swap3A_255 = vector.shape_cast %swap3A_254 : vector<1x16xf32> to vector<16xf32>
        %swap3A_256 = vector.shape_cast %broadcast_in_dim3A_51 : vector<16xf32> to vector<1x16xf32>
        tpu.vector_store %arg16[%swap3A, %swap3A_253], %swap3A_256 {strides = array<i32>} : memref<128x128xf32, #tpu.memory_space<vmem>>, vector<1x16xf32>,
        %swap3A_257 = arith.index_cast %while3A_252 : i32 to index
        %swap3A_258 = arith.constant 16 : index
        %swap3A_259 = tpu.vector_load %arg16[%swap3A_257, %swap3A_258] {strides = array<i32>} : memref<128x128xf32, #tpu.memory_space<vmem>>, vector<1x16xf32>,
        %swap3A_260 = vector.shape_cast %swap3A_259 : vector<1x16xf32> to vector<16xf32>
        %swap3A_261 = vector.shape_cast %broadcast_in_dim3A_51 : vector<16xf32> to vector<1x16xf32>
        tpu.vector_store %arg16[%swap3A_257, %swap3A_258], %swap3A_261 {strides = array<i32>} : memref<128x128xf32, #tpu.memory_space<vmem>>, vector<1x16xf32>,
        %swap3A_262 = arith.index_cast %while3A_252 : i32 to index
        %swap3A_263 = arith.constant 32 : index
        %swap3A_264 = tpu.vector_load %arg16[%swap3A_262, %swap3A_263] {strides = array<i32>} : memref<128x128xf32, #tpu.memory_space<vmem>>, vector<1x16xf32>,
        %swap3A_265 = vector.shape_cast %swap3A_264 : vector<1x16xf32> to vector<16xf32>
        %swap3A_266 = vector.shape_cast %broadcast_in_dim3A_51 : vector<16xf32> to vector<1x16xf32>
        tpu.vector_store %arg16[%swap3A_262, %swap3A_263], %swap3A_266 {strides = array<i32>} : memref<128x128xf32, #tpu.memory_space<vmem>>, vector<1x16xf32>,
        %swap3A_267 = arith.index_cast %while3A_252 : i32 to index
        %swap3A_268 = arith.constant 48 : index
        %swap3A_269 = tpu.vector_load %arg16[%swap3A_267, %swap3A_268] {strides = array<i32>} : memref<128x128xf32, #tpu.memory_space<vmem>>, vector<1x16xf32>,
        %swap3A_270 = vector.shape_cast %swap3A_269 : vector<1x16xf32> to vector<16xf32>
        %swap3A_271 = vector.shape_cast %broadcast_in_dim3A_51 : vector<16xf32> to vector<1x16xf32>
        tpu.vector_store %arg16[%swap3A_267, %swap3A_268], %swap3A_271 {strides = array<i32>} : memref<128x128xf32, #tpu.memory_space<vmem>>, vector<1x16xf32>,
        %swap3A_272 = arith.index_cast %while3A_252 : i32 to index
        %swap3A_273 = arith.constant 64 : index
        %swap3A_274 = tpu.vector_load %arg16[%swap3A_272, %swap3A_273] {strides = array<i32>} : memref<128x128xf32, #tpu.memory_space<vmem>>, vector<1x16xf32>,
        %swap3A_275 = vector.shape_cast %swap3A_274 : vector<1x16xf32> to vector<16xf32>
        %swap3A_276 = vector.shape_cast %broadcast_in_dim3A_51 : vector<16xf32> to vector<1x16xf32>
        tpu.vector_store %arg16[%swap3A_272, %swap3A_273], %swap3A_276 {strides = array<i32>} : memref<128x128xf32, #tpu.memory_space<vmem>>, vector<1x16xf32>,
        %swap3A_277 = arith.index_cast %while3A_252 : i32 to index
        %swap3A_278 = arith.constant 80 : index
        %swap3A_279 = tpu.vector_load %arg16[%swap3A_277, %swap3A_278] {strides = array<i32>} : memref<128x128xf32, #tpu.memory_space<vmem>>, vector<1x16xf32>,
        %swap3A_280 = vector.shape_cast %swap3A_279 : vector<1x16xf32> to vector<16xf32>
        %swap3A_281 = vector.shape_cast %broadcast_in_dim3A_51 : vector<16xf32> to vector<1x16xf32>
        tpu.vector_store %arg16[%swap3A_277, %swap3A_278], %swap3A_281 {strides = array<i32>} : memref<128x128xf32, #tpu.memory_space<vmem>>, vector<1x16xf32>,
        %swap3A_282 = arith.index_cast %while3A_252 : i32 to index
        %swap3A_283 = arith.constant 96 : index
        %swap3A_284 = tpu.vector_load %arg16[%swap3A_282, %swap3A_283] {strides = array<i32>} : memref<128x128xf32, #tpu.memory_space<vmem>>, vector<1x16xf32>,
        %swap3A_285 = vector.shape_cast %swap3A_284 : vector<1x16xf32> to vector<16xf32>
        %swap3A_286 = vector.shape_cast %broadcast_in_dim3A_51 : vector<16xf32> to vector<1x16xf32>
        tpu.vector_store %arg16[%swap3A_282, %swap3A_283], %swap3A_286 {strides = array<i32>} : memref<128x128xf32, #tpu.memory_space<vmem>>, vector<1x16xf32>,
        %swap3A_287 = arith.index_cast %while3A_252 : i32 to index
        %swap3A_288 = arith.constant 112 : index
        %swap3A_289 = tpu.vector_load %arg16[%swap3A_287, %swap3A_288] {strides = array<i32>} : memref<128x128xf32, #tpu.memory_space<vmem>>, vector<1x16xf32>,
        %swap3A_290 = vector.shape_cast %swap3A_289 : vector<1x16xf32> to vector<16xf32>
        %swap3A_291 = vector.shape_cast %broadcast_in_dim3A_51 : vector<16xf32> to vector<1x16xf32>
        tpu.vector_store %arg16[%swap3A_287, %swap3A_288], %swap3A_291 {strides = array<i32>} : memref<128x128xf32, #tpu.memory_space<vmem>>, vector<1x16xf32>,
      }
      %while3A_243 = arith.constant 1 : i32
      scf.for %while3A_252 = %while3A_241 to %while3A_237 step %while3A_243  : i32 {
        %swap3A = arith.index_cast %while3A_252 : i32 to index
        %swap3A_253 = arith.constant 0 : index
        %swap3A_254 = tpu.vector_load %arg16[%swap3A, %swap3A_253] {strides = array<i32>} : memref<128x128xf32, #tpu.memory_space<vmem>>, vector<1x16xf32>,
        %swap3A_255 = vector.shape_cast %swap3A_254 : vector<1x16xf32> to vector<16xf32>
        %swap3A_256 = vector.shape_cast %broadcast_in_dim3A_51 : vector<16xf32> to vector<1x16xf32>
        tpu.vector_store %arg16[%swap3A, %swap3A_253], %swap3A_256 {strides = array<i32>} : memref<128x128xf32, #tpu.memory_space<vmem>>, vector<1x16xf32>,
        %swap3A_257 = arith.index_cast %while3A_252 : i32 to index
        %swap3A_258 = arith.constant 16 : index
        %swap3A_259 = tpu.vector_load %arg16[%swap3A_257, %swap3A_258] {strides = array<i32>} : memref<128x128xf32, #tpu.memory_space<vmem>>, vector<1x16xf32>,
        %swap3A_260 = vector.shape_cast %swap3A_259 : vector<1x16xf32> to vector<16xf32>
        %swap3A_261 = vector.shape_cast %broadcast_in_dim3A_51 : vector<16xf32> to vector<1x16xf32>
        tpu.vector_store %arg16[%swap3A_257, %swap3A_258], %swap3A_261 {strides = array<i32>} : memref<128x128xf32, #tpu.memory_space<vmem>>, vector<1x16xf32>,
        %swap3A_262 = arith.index_cast %while3A_252 : i32 to index
        %swap3A_263 = arith.constant 32 : index
        %swap3A_264 = tpu.vector_load %arg16[%swap3A_262, %swap3A_263] {strides = array<i32>} : memref<128x128xf32, #tpu.memory_space<vmem>>, vector<1x16xf32>,
        %swap3A_265 = vector.shape_cast %swap3A_264 : vector<1x16xf32> to vector<16xf32>
        %swap3A_266 = vector.shape_cast %broadcast_in_dim3A_51 : vector<16xf32> to vector<1x16xf32>
        tpu.vector_store %arg16[%swap3A_262, %swap3A_263], %swap3A_266 {strides = array<i32>} : memref<128x128xf32, #tpu.memory_space<vmem>>, vector<1x16xf32>,
        %swap3A_267 = arith.index_cast %while3A_252 : i32 to index
        %swap3A_268 = arith.constant 48 : index
        %swap3A_269 = tpu.vector_load %arg16[%swap3A_267, %swap3A_268] {strides = array<i32>} : memref<128x128xf32, #tpu.memory_space<vmem>>, vector<1x16xf32>,
        %swap3A_270 = vector.shape_cast %swap3A_269 : vector<1x16xf32> to vector<16xf32>
        %swap3A_271 = vector.shape_cast %broadcast_in_dim3A_51 : vector<16xf32> to vector<1x16xf32>
        tpu.vector_store %arg16[%swap3A_267, %swap3A_268], %swap3A_271 {strides = array<i32>} : memref<128x128xf32, #tpu.memory_space<vmem>>, vector<1x16xf32>,
        %swap3A_272 = arith.index_cast %while3A_252 : i32 to index
        %swap3A_273 = arith.constant 64 : index
        %swap3A_274 = tpu.vector_load %arg16[%swap3A_272, %swap3A_273] {strides = array<i32>} : memref<128x128xf32, #tpu.memory_space<vmem>>, vector<1x16xf32>,
        %swap3A_275 = vector.shape_cast %swap3A_274 : vector<1x16xf32> to vector<16xf32>
        %swap3A_276 = vector.shape_cast %broadcast_in_dim3A_51 : vector<16xf32> to vector<1x16xf32>
        tpu.vector_store %arg16[%swap3A_272, %swap3A_273], %swap3A_276 {strides = array<i32>} : memref<128x128xf32, #tpu.memory_space<vmem>>, vector<1x16xf32>,
        %swap3A_277 = arith.index_cast %while3A_252 : i32 to index
        %swap3A_278 = arith.constant 80 : index
        %swap3A_279 = tpu.vector_load %arg16[%swap3A_277, %swap3A_278] {strides = array<i32>} : memref<128x128xf32, #tpu.memory_space<vmem>>, vector<1x16xf32>,
        %swap3A_280 = vector.shape_cast %swap3A_279 : vector<1x16xf32> to vector<16xf32>
        %swap3A_281 = vector.shape_cast %broadcast_in_dim3A_51 : vector<16xf32> to vector<1x16xf32>
        tpu.vector_store %arg16[%swap3A_277, %swap3A_278], %swap3A_281 {strides = array<i32>} : memref<128x128xf32, #tpu.memory_space<vmem>>, vector<1x16xf32>,
        %swap3A_282 = arith.index_cast %while3A_252 : i32 to index
        %swap3A_283 = arith.constant 96 : index
        %swap3A_284 = tpu.vector_load %arg16[%swap3A_282, %swap3A_283] {strides = array<i32>} : memref<128x128xf32, #tpu.memory_space<vmem>>, vector<1x16xf32>,
        %swap3A_285 = vector.shape_cast %swap3A_284 : vector<1x16xf32> to vector<16xf32>
        %swap3A_286 = vector.shape_cast %broadcast_in_dim3A_51 : vector<16xf32> to vector<1x16xf32>
        tpu.vector_store %arg16[%swap3A_282, %swap3A_283], %swap3A_286 {strides = array<i32>} : memref<128x128xf32, #tpu.memory_space<vmem>>, vector<1x16xf32>,
        %swap3A_287 = arith.index_cast %while3A_252 : i32 to index
        %swap3A_288 = arith.constant 112 : index
        %swap3A_289 = tpu.vector_load %arg16[%swap3A_287, %swap3A_288] {strides = array<i32>} : memref<128x128xf32, #tpu.memory_space<vmem>>, vector<1x16xf32>,
        %swap3A_290 = vector.shape_cast %swap3A_289 : vector<1x16xf32> to vector<16xf32>
        %swap3A_291 = vector.shape_cast %broadcast_in_dim3A_51 : vector<16xf32> to vector<1x16xf32>
        tpu.vector_store %arg16[%swap3A_287, %swap3A_288], %swap3A_291 {strides = array<i32>} : memref<128x128xf32, #tpu.memory_space<vmem>>, vector<1x16xf32>,
      }
      %add3A_244 = arith.constant 256 : i32
      %add3A_245 = arith.addi %mul3A_32, %add3A_244 : i32
      %dma_start3A_246 = arith.constant 0 : i32
      %dma_start3A_247 = tpu.memref_slice %arg8[%select_n3A, %add3A_245, %dma_start3A_246] : memref<8x2048x128xf32, #tpu.memory_space<hbm>> -> memref<1x128x128xf32, #tpu.memory_space<hbm>>
      %dma_start3A_248 = tpu.memref_squeeze %dma_start3A_247 : memref<1x128x128xf32, #tpu.memory_space<hbm>> -> memref<128x128xf32, #tpu.memory_space<hbm>>
      %dma_start3A_249 = arith.constant 0 : i32
      %dma_start3A_250 = tpu.memref_slice %arg8[%select_n3A, %add3A_245, %dma_start3A_249] : memref<8x2048x128xf32, #tpu.memory_space<hbm>> -> memref<1x128x128xf32, #tpu.memory_space<hbm>>
      %dma_start3A_251 = tpu.memref_squeeze %dma_start3A_250 : memref<1x128x128xf32, #tpu.memory_space<hbm>> -> memref<128x128xf32, #tpu.memory_space<hbm>>
      tpu.enqueue_dma source(%arg16 : memref<128x128xf32, #tpu.memory_space<vmem>>) target(%dma_start3A_251 : memref<128x128xf32, #tpu.memory_space<hbm>>) target_semaphore(%arg36 : memref<!tpu.dma_semaphore, #tpu.memory_space<semaphore_mem>>)
    } else {
    }
    %le3A_162 = arith.constant 0 : i32
    %le3A_163 = arith.cmpi sle, %sub3A_78, %le3A_162 : i32
    %convert_element_type3A_164 = arith.extui %le3A_163 : i1 to i32
    %cond3A_165 = arith.constant 0 : i32
    %cond3A_166 = arith.cmpi ne, %convert_element_type3A_164, %cond3A_165 : i32
    scf.if %cond3A_166 {
      %add3A_229 = arith.constant 256 : i32
      %add3A_230 = arith.addi %mul3A_32, %add3A_229 : i32
      %dma_start3A_231 = arith.constant 0 : i32
      %dma_start3A_232 = tpu.memref_slice %arg8[%select_n3A, %add3A_230, %dma_start3A_231] : memref<8x2048x128xf32, #tpu.memory_space<hbm>> -> memref<1x128x128xf32, #tpu.memory_space<hbm>>
      %dma_start3A_233 = tpu.memref_squeeze %dma_start3A_232 : memref<1x128x128xf32, #tpu.memory_space<hbm>> -> memref<128x128xf32, #tpu.memory_space<hbm>>
      %dma_start3A_234 = arith.constant 0 : i32
      %dma_start3A_235 = tpu.memref_slice %arg8[%select_n3A, %add3A_230, %dma_start3A_234] : memref<8x2048x128xf32, #tpu.memory_space<hbm>> -> memref<1x128x128xf32, #tpu.memory_space<hbm>>
      %dma_start3A_236 = tpu.memref_squeeze %dma_start3A_235 : memref<1x128x128xf32, #tpu.memory_space<hbm>> -> memref<128x128xf32, #tpu.memory_space<hbm>>
      tpu.enqueue_dma source(%arg19 : memref<128x128xf32, #tpu.memory_space<vmem>>) target(%dma_start3A_236 : memref<128x128xf32, #tpu.memory_space<hbm>>) target_semaphore(%arg36 : memref<!tpu.dma_semaphore, #tpu.memory_space<semaphore_mem>>)
    } else {
    }
    %gt3A_167 = arith.constant 0 : i32
    %gt3A_168 = arith.cmpi sgt, %sub3A_81, %gt3A_167 : i32
    %convert_element_type3A_169 = arith.extui %gt3A_168 : i1 to i32
    %cond3A_170 = arith.constant 0 : i32
    %cond3A_171 = arith.cmpi ne, %convert_element_type3A_169, %cond3A_170 : i32
    scf.if %cond3A_171 {
      %dma_wait3A_229 = arith.constant 384 : i32
      %dma_wait3A_230 = tpu.memref_slice %arg12[%dma_wait3A_229] : memref<512xi32, #tpu.memory_space<vmem>> -> memref<128xi32, #tpu.memory_space<vmem>>
      %dma_wait3A_231 = arith.constant 0 : i32
      %dma_wait3A_232 = arith.constant 0 : i32
      %dma_wait3A_233 = tpu.memref_slice %arg7[%dma_wait3A_231, %dma_wait3A_232] : memref<100000x128xf32, #tpu.memory_space<hbm>> -> memref<100000x128xf32, #tpu.memory_space<hbm>>
      tpu.wait_indirect_dma semaphore(%arg33 : memref<!tpu.dma_semaphore, #tpu.memory_space<semaphore_mem>>) src(%dma_wait3A_233 : memref<100000x128xf32, #tpu.memory_space<hbm>>) dst(%arg17 : memref<128x128xf32, #tpu.memory_space<vmem>>)
      %max3A = arith.constant 0 : i32
      %max3A_234 = arith.maxsi %sub3A_81, %max3A : i32
      %while3A = arith.constant 0 : i32
      %while3A_235 = arith.constant 128 : i32
      %while3A_236 = arith.subi %while3A_235, %max3A_234 : i32
      %while3A_237 = arith.addi %max3A_234, %while3A_236 : i32
      %while3A_238 = arith.constant 1 : i32
      %while3A_239 = arith.divsi %while3A_236, %while3A_238 : i32
      %while3A_240 = arith.muli %while3A_239, %while3A_238 : i32
      %while3A_241 = arith.addi %max3A_234, %while3A_240 : i32
      %while3A_242 = arith.constant 1 : i32
      scf.for %while3A_252 = %max3A_234 to %while3A_241 step %while3A_242  : i32 {
        %swap3A = arith.index_cast %while3A_252 : i32 to index
        %swap3A_253 = arith.constant 0 : index
        %swap3A_254 = tpu.vector_load %arg17[%swap3A, %swap3A_253] {strides = array<i32>} : memref<128x128xf32, #tpu.memory_space<vmem>>, vector<1x16xf32>,
        %swap3A_255 = vector.shape_cast %swap3A_254 : vector<1x16xf32> to vector<16xf32>
        %swap3A_256 = vector.shape_cast %broadcast_in_dim3A_51 : vector<16xf32> to vector<1x16xf32>
        tpu.vector_store %arg17[%swap3A, %swap3A_253], %swap3A_256 {strides = array<i32>} : memref<128x128xf32, #tpu.memory_space<vmem>>, vector<1x16xf32>,
        %swap3A_257 = arith.index_cast %while3A_252 : i32 to index
        %swap3A_258 = arith.constant 16 : index
        %swap3A_259 = tpu.vector_load %arg17[%swap3A_257, %swap3A_258] {strides = array<i32>} : memref<128x128xf32, #tpu.memory_space<vmem>>, vector<1x16xf32>,
        %swap3A_260 = vector.shape_cast %swap3A_259 : vector<1x16xf32> to vector<16xf32>
        %swap3A_261 = vector.shape_cast %broadcast_in_dim3A_51 : vector<16xf32> to vector<1x16xf32>
        tpu.vector_store %arg17[%swap3A_257, %swap3A_258], %swap3A_261 {strides = array<i32>} : memref<128x128xf32, #tpu.memory_space<vmem>>, vector<1x16xf32>,
        %swap3A_262 = arith.index_cast %while3A_252 : i32 to index
        %swap3A_263 = arith.constant 32 : index
        %swap3A_264 = tpu.vector_load %arg17[%swap3A_262, %swap3A_263] {strides = array<i32>} : memref<128x128xf32, #tpu.memory_space<vmem>>, vector<1x16xf32>,
        %swap3A_265 = vector.shape_cast %swap3A_264 : vector<1x16xf32> to vector<16xf32>
        %swap3A_266 = vector.shape_cast %broadcast_in_dim3A_51 : vector<16xf32> to vector<1x16xf32>
        tpu.vector_store %arg17[%swap3A_262, %swap3A_263], %swap3A_266 {strides = array<i32>} : memref<128x128xf32, #tpu.memory_space<vmem>>, vector<1x16xf32>,
        %swap3A_267 = arith.index_cast %while3A_252 : i32 to index
        %swap3A_268 = arith.constant 48 : index
        %swap3A_269 = tpu.vector_load %arg17[%swap3A_267, %swap3A_268] {strides = array<i32>} : memref<128x128xf32, #tpu.memory_space<vmem>>, vector<1x16xf32>,
        %swap3A_270 = vector.shape_cast %swap3A_269 : vector<1x16xf32> to vector<16xf32>
        %swap3A_271 = vector.shape_cast %broadcast_in_dim3A_51 : vector<16xf32> to vector<1x16xf32>
        tpu.vector_store %arg17[%swap3A_267, %swap3A_268], %swap3A_271 {strides = array<i32>} : memref<128x128xf32, #tpu.memory_space<vmem>>, vector<1x16xf32>,
        %swap3A_272 = arith.index_cast %while3A_252 : i32 to index
        %swap3A_273 = arith.constant 64 : index
        %swap3A_274 = tpu.vector_load %arg17[%swap3A_272, %swap3A_273] {strides = array<i32>} : memref<128x128xf32, #tpu.memory_space<vmem>>, vector<1x16xf32>,
        %swap3A_275 = vector.shape_cast %swap3A_274 : vector<1x16xf32> to vector<16xf32>
        %swap3A_276 = vector.shape_cast %broadcast_in_dim3A_51 : vector<16xf32> to vector<1x16xf32>
        tpu.vector_store %arg17[%swap3A_272, %swap3A_273], %swap3A_276 {strides = array<i32>} : memref<128x128xf32, #tpu.memory_space<vmem>>, vector<1x16xf32>,
        %swap3A_277 = arith.index_cast %while3A_252 : i32 to index
        %swap3A_278 = arith.constant 80 : index
        %swap3A_279 = tpu.vector_load %arg17[%swap3A_277, %swap3A_278] {strides = array<i32>} : memref<128x128xf32, #tpu.memory_space<vmem>>, vector<1x16xf32>,
        %swap3A_280 = vector.shape_cast %swap3A_279 : vector<1x16xf32> to vector<16xf32>
        %swap3A_281 = vector.shape_cast %broadcast_in_dim3A_51 : vector<16xf32> to vector<1x16xf32>
        tpu.vector_store %arg17[%swap3A_277, %swap3A_278], %swap3A_281 {strides = array<i32>} : memref<128x128xf32, #tpu.memory_space<vmem>>, vector<1x16xf32>,
        %swap3A_282 = arith.index_cast %while3A_252 : i32 to index
        %swap3A_283 = arith.constant 96 : index
        %swap3A_284 = tpu.vector_load %arg17[%swap3A_282, %swap3A_283] {strides = array<i32>} : memref<128x128xf32, #tpu.memory_space<vmem>>, vector<1x16xf32>,
        %swap3A_285 = vector.shape_cast %swap3A_284 : vector<1x16xf32> to vector<16xf32>
        %swap3A_286 = vector.shape_cast %broadcast_in_dim3A_51 : vector<16xf32> to vector<1x16xf32>
        tpu.vector_store %arg17[%swap3A_282, %swap3A_283], %swap3A_286 {strides = array<i32>} : memref<128x128xf32, #tpu.memory_space<vmem>>, vector<1x16xf32>,
        %swap3A_287 = arith.index_cast %while3A_252 : i32 to index
        %swap3A_288 = arith.constant 112 : index
        %swap3A_289 = tpu.vector_load %arg17[%swap3A_287, %swap3A_288] {strides = array<i32>} : memref<128x128xf32, #tpu.memory_space<vmem>>, vector<1x16xf32>,
        %swap3A_290 = vector.shape_cast %swap3A_289 : vector<1x16xf32> to vector<16xf32>
        %swap3A_291 = vector.shape_cast %broadcast_in_dim3A_51 : vector<16xf32> to vector<1x16xf32>
        tpu.vector_store %arg17[%swap3A_287, %swap3A_288], %swap3A_291 {strides = array<i32>} : memref<128x128xf32, #tpu.memory_space<vmem>>, vector<1x16xf32>,
      }
      %while3A_243 = arith.constant 1 : i32
      scf.for %while3A_252 = %while3A_241 to %while3A_237 step %while3A_243  : i32 {
        %swap3A = arith.index_cast %while3A_252 : i32 to index
        %swap3A_253 = arith.constant 0 : index
        %swap3A_254 = tpu.vector_load %arg17[%swap3A, %swap3A_253] {strides = array<i32>} : memref<128x128xf32, #tpu.memory_space<vmem>>, vector<1x16xf32>,
        %swap3A_255 = vector.shape_cast %swap3A_254 : vector<1x16xf32> to vector<16xf32>
        %swap3A_256 = vector.shape_cast %broadcast_in_dim3A_51 : vector<16xf32> to vector<1x16xf32>
        tpu.vector_store %arg17[%swap3A, %swap3A_253], %swap3A_256 {strides = array<i32>} : memref<128x128xf32, #tpu.memory_space<vmem>>, vector<1x16xf32>,
        %swap3A_257 = arith.index_cast %while3A_252 : i32 to index
        %swap3A_258 = arith.constant 16 : index
        %swap3A_259 = tpu.vector_load %arg17[%swap3A_257, %swap3A_258] {strides = array<i32>} : memref<128x128xf32, #tpu.memory_space<vmem>>, vector<1x16xf32>,
        %swap3A_260 = vector.shape_cast %swap3A_259 : vector<1x16xf32> to vector<16xf32>
        %swap3A_261 = vector.shape_cast %broadcast_in_dim3A_51 : vector<16xf32> to vector<1x16xf32>
        tpu.vector_store %arg17[%swap3A_257, %swap3A_258], %swap3A_261 {strides = array<i32>} : memref<128x128xf32, #tpu.memory_space<vmem>>, vector<1x16xf32>,
        %swap3A_262 = arith.index_cast %while3A_252 : i32 to index
        %swap3A_263 = arith.constant 32 : index
        %swap3A_264 = tpu.vector_load %arg17[%swap3A_262, %swap3A_263] {strides = array<i32>} : memref<128x128xf32, #tpu.memory_space<vmem>>, vector<1x16xf32>,
        %swap3A_265 = vector.shape_cast %swap3A_264 : vector<1x16xf32> to vector<16xf32>
        %swap3A_266 = vector.shape_cast %broadcast_in_dim3A_51 : vector<16xf32> to vector<1x16xf32>
        tpu.vector_store %arg17[%swap3A_262, %swap3A_263], %swap3A_266 {strides = array<i32>} : memref<128x128xf32, #tpu.memory_space<vmem>>, vector<1x16xf32>,
        %swap3A_267 = arith.index_cast %while3A_252 : i32 to index
        %swap3A_268 = arith.constant 48 : index
        %swap3A_269 = tpu.vector_load %arg17[%swap3A_267, %swap3A_268] {strides = array<i32>} : memref<128x128xf32, #tpu.memory_space<vmem>>, vector<1x16xf32>,
        %swap3A_270 = vector.shape_cast %swap3A_269 : vector<1x16xf32> to vector<16xf32>
        %swap3A_271 = vector.shape_cast %broadcast_in_dim3A_51 : vector<16xf32> to vector<1x16xf32>
        tpu.vector_store %arg17[%swap3A_267, %swap3A_268], %swap3A_271 {strides = array<i32>} : memref<128x128xf32, #tpu.memory_space<vmem>>, vector<1x16xf32>,
        %swap3A_272 = arith.index_cast %while3A_252 : i32 to index
        %swap3A_273 = arith.constant 64 : index
        %swap3A_274 = tpu.vector_load %arg17[%swap3A_272, %swap3A_273] {strides = array<i32>} : memref<128x128xf32, #tpu.memory_space<vmem>>, vector<1x16xf32>,
        %swap3A_275 = vector.shape_cast %swap3A_274 : vector<1x16xf32> to vector<16xf32>
        %swap3A_276 = vector.shape_cast %broadcast_in_dim3A_51 : vector<16xf32> to vector<1x16xf32>
        tpu.vector_store %arg17[%swap3A_272, %swap3A_273], %swap3A_276 {strides = array<i32>} : memref<128x128xf32, #tpu.memory_space<vmem>>, vector<1x16xf32>,
        %swap3A_277 = arith.index_cast %while3A_252 : i32 to index
        %swap3A_278 = arith.constant 80 : index
        %swap3A_279 = tpu.vector_load %arg17[%swap3A_277, %swap3A_278] {strides = array<i32>} : memref<128x128xf32, #tpu.memory_space<vmem>>, vector<1x16xf32>,
        %swap3A_280 = vector.shape_cast %swap3A_279 : vector<1x16xf32> to vector<16xf32>
        %swap3A_281 = vector.shape_cast %broadcast_in_dim3A_51 : vector<16xf32> to vector<1x16xf32>
        tpu.vector_store %arg17[%swap3A_277, %swap3A_278], %swap3A_281 {strides = array<i32>} : memref<128x128xf32, #tpu.memory_space<vmem>>, vector<1x16xf32>,
        %swap3A_282 = arith.index_cast %while3A_252 : i32 to index
        %swap3A_283 = arith.constant 96 : index
        %swap3A_284 = tpu.vector_load %arg17[%swap3A_282, %swap3A_283] {strides = array<i32>} : memref<128x128xf32, #tpu.memory_space<vmem>>, vector<1x16xf32>,
        %swap3A_285 = vector.shape_cast %swap3A_284 : vector<1x16xf32> to vector<16xf32>
        %swap3A_286 = vector.shape_cast %broadcast_in_dim3A_51 : vector<16xf32> to vector<1x16xf32>
        tpu.vector_store %arg17[%swap3A_282, %swap3A_283], %swap3A_286 {strides = array<i32>} : memref<128x128xf32, #tpu.memory_space<vmem>>, vector<1x16xf32>,
        %swap3A_287 = arith.index_cast %while3A_252 : i32 to index
        %swap3A_288 = arith.constant 112 : index
        %swap3A_289 = tpu.vector_load %arg17[%swap3A_287, %swap3A_288] {strides = array<i32>} : memref<128x128xf32, #tpu.memory_space<vmem>>, vector<1x16xf32>,
        %swap3A_290 = vector.shape_cast %swap3A_289 : vector<1x16xf32> to vector<16xf32>
        %swap3A_291 = vector.shape_cast %broadcast_in_dim3A_51 : vector<16xf32> to vector<1x16xf32>
        tpu.vector_store %arg17[%swap3A_287, %swap3A_288], %swap3A_291 {strides = array<i32>} : memref<128x128xf32, #tpu.memory_space<vmem>>, vector<1x16xf32>,
      }
      %add3A_244 = arith.constant 384 : i32
      %add3A_245 = arith.addi %mul3A_32, %add3A_244 : i32
      %dma_start3A_246 = arith.constant 0 : i32
      %dma_start3A_247 = tpu.memref_slice %arg8[%select_n3A, %add3A_245, %dma_start3A_246] : memref<8x2048x128xf32, #tpu.memory_space<hbm>> -> memref<1x128x128xf32, #tpu.memory_space<hbm>>
      %dma_start3A_248 = tpu.memref_squeeze %dma_start3A_247 : memref<1x128x128xf32, #tpu.memory_space<hbm>> -> memref<128x128xf32, #tpu.memory_space<hbm>>
      %dma_start3A_249 = arith.constant 0 : i32
      %dma_start3A_250 = tpu.memref_slice %arg8[%select_n3A, %add3A_245, %dma_start3A_249] : memref<8x2048x128xf32, #tpu.memory_space<hbm>> -> memref<1x128x128xf32, #tpu.memory_space<hbm>>
      %dma_start3A_251 = tpu.memref_squeeze %dma_start3A_250 : memref<1x128x128xf32, #tpu.memory_space<hbm>> -> memref<128x128xf32, #tpu.memory_space<hbm>>
      tpu.enqueue_dma source(%arg17 : memref<128x128xf32, #tpu.memory_space<vmem>>) target(%dma_start3A_251 : memref<128x128xf32, #tpu.memory_space<hbm>>) target_semaphore(%arg37 : memref<!tpu.dma_semaphore, #tpu.memory_space<semaphore_mem>>)
    } else {
    }
    %le3A_172 = arith.constant 0 : i32
    %le3A_173 = arith.cmpi sle, %sub3A_81, %le3A_172 : i32
    %convert_element_type3A_174 = arith.extui %le3A_173 : i1 to i32
    %cond3A_175 = arith.constant 0 : i32
    %cond3A_176 = arith.cmpi ne, %convert_element_type3A_174, %cond3A_175 : i32
    scf.if %cond3A_176 {
      %add3A_229 = arith.constant 384 : i32
      %add3A_230 = arith.addi %mul3A_32, %add3A_229 : i32
      %dma_start3A_231 = arith.constant 0 : i32
      %dma_start3A_232 = tpu.memref_slice %arg8[%select_n3A, %add3A_230, %dma_start3A_231] : memref<8x2048x128xf32, #tpu.memory_space<hbm>> -> memref<1x128x128xf32, #tpu.memory_space<hbm>>
      %dma_start3A_233 = tpu.memref_squeeze %dma_start3A_232 : memref<1x128x128xf32, #tpu.memory_space<hbm>> -> memref<128x128xf32, #tpu.memory_space<hbm>>
      %dma_start3A_234 = arith.constant 0 : i32
      %dma_start3A_235 = tpu.memref_slice %arg8[%select_n3A, %add3A_230, %dma_start3A_234] : memref<8x2048x128xf32, #tpu.memory_space<hbm>> -> memref<1x128x128xf32, #tpu.memory_space<hbm>>
      %dma_start3A_236 = tpu.memref_squeeze %dma_start3A_235 : memref<1x128x128xf32, #tpu.memory_space<hbm>> -> memref<128x128xf32, #tpu.memory_space<hbm>>
      tpu.enqueue_dma source(%arg19 : memref<128x128xf32, #tpu.memory_space<vmem>>) target(%dma_start3A_236 : memref<128x128xf32, #tpu.memory_space<hbm>>) target_semaphore(%arg37 : memref<!tpu.dma_semaphore, #tpu.memory_space<semaphore_mem>>)
    } else {
    }
    %gt3A_177 = arith.constant 0 : i32
    %gt3A_178 = arith.cmpi sgt, %sub3A_82, %gt3A_177 : i32
    %convert_element_type3A_179 = arith.extui %gt3A_178 : i1 to i32
    %cond3A_180 = arith.constant 0 : i32
    %cond3A_181 = arith.cmpi ne, %convert_element_type3A_179, %cond3A_180 : i32
    scf.if %cond3A_181 {
      %dma_wait3A_229 = arith.constant 0 : i32
      %dma_wait3A_230 = arith.constant 0 : i32
      %dma_wait3A_231 = tpu.memref_slice %arg7[%dma_wait3A_229, %dma_wait3A_230] : memref<100000x128xf32, #tpu.memory_space<hbm>> -> memref<100000x128xf32, #tpu.memory_space<hbm>>
      tpu.wait_indirect_dma semaphore(%arg28 : memref<!tpu.dma_semaphore, #tpu.memory_space<semaphore_mem>>) src(%dma_wait3A_231 : memref<100000x128xf32, #tpu.memory_space<hbm>>) dst(%arg18 : memref<32x128xf32, #tpu.memory_space<vmem>>)
      %max3A = arith.constant 0 : i32
      %max3A_232 = arith.maxsi %sub3A_82, %max3A : i32
      %while3A = arith.constant 0 : i32
      %while3A_233 = arith.constant 32 : i32
      %while3A_234 = arith.subi %while3A_233, %max3A_232 : i32
      %while3A_235 = arith.addi %max3A_232, %while3A_234 : i32
      %while3A_236 = arith.constant 1 : i32
      %while3A_237 = arith.divsi %while3A_234, %while3A_236 : i32
      %while3A_238 = arith.muli %while3A_237, %while3A_236 : i32
      %while3A_239 = arith.addi %max3A_232, %while3A_238 : i32
      %while3A_240 = arith.constant 1 : i32
      scf.for %while3A_248 = %max3A_232 to %while3A_239 step %while3A_240  : i32 {
        %swap3A = arith.index_cast %while3A_248 : i32 to index
        %swap3A_249 = arith.constant 0 : index
        %swap3A_250 = tpu.vector_load %arg18[%swap3A, %swap3A_249] {strides = array<i32>} : memref<32x128xf32, #tpu.memory_space<vmem>>, vector<1x16xf32>,
        %swap3A_251 = vector.shape_cast %swap3A_250 : vector<1x16xf32> to vector<16xf32>
        %swap3A_252 = vector.shape_cast %broadcast_in_dim3A_51 : vector<16xf32> to vector<1x16xf32>
        tpu.vector_store %arg18[%swap3A, %swap3A_249], %swap3A_252 {strides = array<i32>} : memref<32x128xf32, #tpu.memory_space<vmem>>, vector<1x16xf32>,
        %swap3A_253 = arith.index_cast %while3A_248 : i32 to index
        %swap3A_254 = arith.constant 16 : index
        %swap3A_255 = tpu.vector_load %arg18[%swap3A_253, %swap3A_254] {strides = array<i32>} : memref<32x128xf32, #tpu.memory_space<vmem>>, vector<1x16xf32>,
        %swap3A_256 = vector.shape_cast %swap3A_255 : vector<1x16xf32> to vector<16xf32>
        %swap3A_257 = vector.shape_cast %broadcast_in_dim3A_51 : vector<16xf32> to vector<1x16xf32>
        tpu.vector_store %arg18[%swap3A_253, %swap3A_254], %swap3A_257 {strides = array<i32>} : memref<32x128xf32, #tpu.memory_space<vmem>>, vector<1x16xf32>,
        %swap3A_258 = arith.index_cast %while3A_248 : i32 to index
        %swap3A_259 = arith.constant 32 : index
        %swap3A_260 = tpu.vector_load %arg18[%swap3A_258, %swap3A_259] {strides = array<i32>} : memref<32x128xf32, #tpu.memory_space<vmem>>, vector<1x16xf32>,
        %swap3A_261 = vector.shape_cast %swap3A_260 : vector<1x16xf32> to vector<16xf32>
        %swap3A_262 = vector.shape_cast %broadcast_in_dim3A_51 : vector<16xf32> to vector<1x16xf32>
        tpu.vector_store %arg18[%swap3A_258, %swap3A_259], %swap3A_262 {strides = array<i32>} : memref<32x128xf32, #tpu.memory_space<vmem>>, vector<1x16xf32>,
        %swap3A_263 = arith.index_cast %while3A_248 : i32 to index
        %swap3A_264 = arith.constant 48 : index
        %swap3A_265 = tpu.vector_load %arg18[%swap3A_263, %swap3A_264] {strides = array<i32>} : memref<32x128xf32, #tpu.memory_space<vmem>>, vector<1x16xf32>,
        %swap3A_266 = vector.shape_cast %swap3A_265 : vector<1x16xf32> to vector<16xf32>
        %swap3A_267 = vector.shape_cast %broadcast_in_dim3A_51 : vector<16xf32> to vector<1x16xf32>
        tpu.vector_store %arg18[%swap3A_263, %swap3A_264], %swap3A_267 {strides = array<i32>} : memref<32x128xf32, #tpu.memory_space<vmem>>, vector<1x16xf32>,
        %swap3A_268 = arith.index_cast %while3A_248 : i32 to index
        %swap3A_269 = arith.constant 64 : index
        %swap3A_270 = tpu.vector_load %arg18[%swap3A_268, %swap3A_269] {strides = array<i32>} : memref<32x128xf32, #tpu.memory_space<vmem>>, vector<1x16xf32>,
        %swap3A_271 = vector.shape_cast %swap3A_270 : vector<1x16xf32> to vector<16xf32>
        %swap3A_272 = vector.shape_cast %broadcast_in_dim3A_51 : vector<16xf32> to vector<1x16xf32>
        tpu.vector_store %arg18[%swap3A_268, %swap3A_269], %swap3A_272 {strides = array<i32>} : memref<32x128xf32, #tpu.memory_space<vmem>>, vector<1x16xf32>,
        %swap3A_273 = arith.index_cast %while3A_248 : i32 to index
        %swap3A_274 = arith.constant 80 : index
        %swap3A_275 = tpu.vector_load %arg18[%swap3A_273, %swap3A_274] {strides = array<i32>} : memref<32x128xf32, #tpu.memory_space<vmem>>, vector<1x16xf32>,
        %swap3A_276 = vector.shape_cast %swap3A_275 : vector<1x16xf32> to vector<16xf32>
        %swap3A_277 = vector.shape_cast %broadcast_in_dim3A_51 : vector<16xf32> to vector<1x16xf32>
        tpu.vector_store %arg18[%swap3A_273, %swap3A_274], %swap3A_277 {strides = array<i32>} : memref<32x128xf32, #tpu.memory_space<vmem>>, vector<1x16xf32>,
        %swap3A_278 = arith.index_cast %while3A_248 : i32 to index
        %swap3A_279 = arith.constant 96 : index
        %swap3A_280 = tpu.vector_load %arg18[%swap3A_278, %swap3A_279] {strides = array<i32>} : memref<32x128xf32, #tpu.memory_space<vmem>>, vector<1x16xf32>,
        %swap3A_281 = vector.shape_cast %swap3A_280 : vector<1x16xf32> to vector<16xf32>
        %swap3A_282 = vector.shape_cast %broadcast_in_dim3A_51 : vector<16xf32> to vector<1x16xf32>
        tpu.vector_store %arg18[%swap3A_278, %swap3A_279], %swap3A_282 {strides = array<i32>} : memref<32x128xf32, #tpu.memory_space<vmem>>, vector<1x16xf32>,
        %swap3A_283 = arith.index_cast %while3A_248 : i32 to index
        %swap3A_284 = arith.constant 112 : index
        %swap3A_285 = tpu.vector_load %arg18[%swap3A_283, %swap3A_284] {strides = array<i32>} : memref<32x128xf32, #tpu.memory_space<vmem>>, vector<1x16xf32>,
        %swap3A_286 = vector.shape_cast %swap3A_285 : vector<1x16xf32> to vector<16xf32>
        %swap3A_287 = vector.shape_cast %broadcast_in_dim3A_51 : vector<16xf32> to vector<1x16xf32>
        tpu.vector_store %arg18[%swap3A_283, %swap3A_284], %swap3A_287 {strides = array<i32>} : memref<32x128xf32, #tpu.memory_space<vmem>>, vector<1x16xf32>,
      }
      %while3A_241 = arith.constant 1 : i32
      scf.for %while3A_248 = %while3A_239 to %while3A_235 step %while3A_241  : i32 {
        %swap3A = arith.index_cast %while3A_248 : i32 to index
        %swap3A_249 = arith.constant 0 : index
        %swap3A_250 = tpu.vector_load %arg18[%swap3A, %swap3A_249] {strides = array<i32>} : memref<32x128xf32, #tpu.memory_space<vmem>>, vector<1x16xf32>,
        %swap3A_251 = vector.shape_cast %swap3A_250 : vector<1x16xf32> to vector<16xf32>
        %swap3A_252 = vector.shape_cast %broadcast_in_dim3A_51 : vector<16xf32> to vector<1x16xf32>
        tpu.vector_store %arg18[%swap3A, %swap3A_249], %swap3A_252 {strides = array<i32>} : memref<32x128xf32, #tpu.memory_space<vmem>>, vector<1x16xf32>,
        %swap3A_253 = arith.index_cast %while3A_248 : i32 to index
        %swap3A_254 = arith.constant 16 : index
        %swap3A_255 = tpu.vector_load %arg18[%swap3A_253, %swap3A_254] {strides = array<i32>} : memref<32x128xf32, #tpu.memory_space<vmem>>, vector<1x16xf32>,
        %swap3A_256 = vector.shape_cast %swap3A_255 : vector<1x16xf32> to vector<16xf32>
        %swap3A_257 = vector.shape_cast %broadcast_in_dim3A_51 : vector<16xf32> to vector<1x16xf32>
        tpu.vector_store %arg18[%swap3A_253, %swap3A_254], %swap3A_257 {strides = array<i32>} : memref<32x128xf32, #tpu.memory_space<vmem>>, vector<1x16xf32>,
        %swap3A_258 = arith.index_cast %while3A_248 : i32 to index
        %swap3A_259 = arith.constant 32 : index
        %swap3A_260 = tpu.vector_load %arg18[%swap3A_258, %swap3A_259] {strides = array<i32>} : memref<32x128xf32, #tpu.memory_space<vmem>>, vector<1x16xf32>,
        %swap3A_261 = vector.shape_cast %swap3A_260 : vector<1x16xf32> to vector<16xf32>
        %swap3A_262 = vector.shape_cast %broadcast_in_dim3A_51 : vector<16xf32> to vector<1x16xf32>
        tpu.vector_store %arg18[%swap3A_258, %swap3A_259], %swap3A_262 {strides = array<i32>} : memref<32x128xf32, #tpu.memory_space<vmem>>, vector<1x16xf32>,
        %swap3A_263 = arith.index_cast %while3A_248 : i32 to index
        %swap3A_264 = arith.constant 48 : index
        %swap3A_265 = tpu.vector_load %arg18[%swap3A_263, %swap3A_264] {strides = array<i32>} : memref<32x128xf32, #tpu.memory_space<vmem>>, vector<1x16xf32>,
        %swap3A_266 = vector.shape_cast %swap3A_265 : vector<1x16xf32> to vector<16xf32>
        %swap3A_267 = vector.shape_cast %broadcast_in_dim3A_51 : vector<16xf32> to vector<1x16xf32>
        tpu.vector_store %arg18[%swap3A_263, %swap3A_264], %swap3A_267 {strides = array<i32>} : memref<32x128xf32, #tpu.memory_space<vmem>>, vector<1x16xf32>,
        %swap3A_268 = arith.index_cast %while3A_248 : i32 to index
        %swap3A_269 = arith.constant 64 : index
        %swap3A_270 = tpu.vector_load %arg18[%swap3A_268, %swap3A_269] {strides = array<i32>} : memref<32x128xf32, #tpu.memory_space<vmem>>, vector<1x16xf32>,
        %swap3A_271 = vector.shape_cast %swap3A_270 : vector<1x16xf32> to vector<16xf32>
        %swap3A_272 = vector.shape_cast %broadcast_in_dim3A_51 : vector<16xf32> to vector<1x16xf32>
        tpu.vector_store %arg18[%swap3A_268, %swap3A_269], %swap3A_272 {strides = array<i32>} : memref<32x128xf32, #tpu.memory_space<vmem>>, vector<1x16xf32>,
        %swap3A_273 = arith.index_cast %while3A_248 : i32 to index
        %swap3A_274 = arith.constant 80 : index
        %swap3A_275 = tpu.vector_load %arg18[%swap3A_273, %swap3A_274] {strides = array<i32>} : memref<32x128xf32, #tpu.memory_space<vmem>>, vector<1x16xf32>,
        %swap3A_276 = vector.shape_cast %swap3A_275 : vector<1x16xf32> to vector<16xf32>
        %swap3A_277 = vector.shape_cast %broadcast_in_dim3A_51 : vector<16xf32> to vector<1x16xf32>
        tpu.vector_store %arg18[%swap3A_273, %swap3A_274], %swap3A_277 {strides = array<i32>} : memref<32x128xf32, #tpu.memory_space<vmem>>, vector<1x16xf32>,
        %swap3A_278 = arith.index_cast %while3A_248 : i32 to index
        %swap3A_279 = arith.constant 96 : index
        %swap3A_280 = tpu.vector_load %arg18[%swap3A_278, %swap3A_279] {strides = array<i32>} : memref<32x128xf32, #tpu.memory_space<vmem>>, vector<1x16xf32>,
        %swap3A_281 = vector.shape_cast %swap3A_280 : vector<1x16xf32> to vector<16xf32>
        %swap3A_282 = vector.shape_cast %broadcast_in_dim3A_51 : vector<16xf32> to vector<1x16xf32>
        tpu.vector_store %arg18[%swap3A_278, %swap3A_279], %swap3A_282 {strides = array<i32>} : memref<32x128xf32, #tpu.memory_space<vmem>>, vector<1x16xf32>,
        %swap3A_283 = arith.index_cast %while3A_248 : i32 to index
        %swap3A_284 = arith.constant 112 : index
        %swap3A_285 = tpu.vector_load %arg18[%swap3A_283, %swap3A_284] {strides = array<i32>} : memref<32x128xf32, #tpu.memory_space<vmem>>, vector<1x16xf32>,
        %swap3A_286 = vector.shape_cast %swap3A_285 : vector<1x16xf32> to vector<16xf32>
        %swap3A_287 = vector.shape_cast %broadcast_in_dim3A_51 : vector<16xf32> to vector<1x16xf32>
        tpu.vector_store %arg18[%swap3A_283, %swap3A_284], %swap3A_287 {strides = array<i32>} : memref<32x128xf32, #tpu.memory_space<vmem>>, vector<1x16xf32>,
      }
      %dma_start3A_242 = arith.constant 0 : i32
      %dma_start3A_243 = tpu.memref_slice %arg9[%select_n3A, %mul3A_50, %dma_start3A_242] : memref<8x128x128xf32, #tpu.memory_space<hbm>> -> memref<1x32x128xf32, #tpu.memory_space<hbm>>
      %dma_start3A_244 = tpu.memref_squeeze %dma_start3A_243 : memref<1x32x128xf32, #tpu.memory_space<hbm>> -> memref<32x128xf32, #tpu.memory_space<hbm>>
      %dma_start3A_245 = arith.constant 0 : i32
      %dma_start3A_246 = tpu.memref_slice %arg9[%select_n3A, %mul3A_50, %dma_start3A_245] : memref<8x128x128xf32, #tpu.memory_space<hbm>> -> memref<1x32x128xf32, #tpu.memory_space<hbm>>
      %dma_start3A_247 = tpu.memref_squeeze %dma_start3A_246 : memref<1x32x128xf32, #tpu.memory_space<hbm>> -> memref<32x128xf32, #tpu.memory_space<hbm>>
      tpu.enqueue_dma source(%arg18 : memref<32x128xf32, #tpu.memory_space<vmem>>) target(%dma_start3A_247 : memref<32x128xf32, #tpu.memory_space<hbm>>) target_semaphore(%arg29 : memref<!tpu.dma_semaphore, #tpu.memory_space<semaphore_mem>>)
    } else {
    }
    %le3A_182 = arith.constant 0 : i32
    %le3A_183 = arith.cmpi sle, %sub3A_82, %le3A_182 : i32
    %convert_element_type3A_184 = arith.extui %le3A_183 : i1 to i32
    %cond3A_185 = arith.constant 0 : i32
    %cond3A_186 = arith.cmpi ne, %convert_element_type3A_184, %cond3A_185 : i32
    scf.if %cond3A_186 {
      %dma_start3A_229 = arith.constant 0 : i32
      %dma_start3A_230 = arith.constant 0 : i32
      %dma_start3A_231 = tpu.memref_slice %arg19[%dma_start3A_229, %dma_start3A_230] : memref<128x128xf32, #tpu.memory_space<vmem>> -> memref<32x128xf32, #tpu.memory_space<vmem>>
      %dma_start3A_232 = arith.constant 0 : i32
      %dma_start3A_233 = tpu.memref_slice %arg9[%select_n3A, %mul3A_50, %dma_start3A_232] : memref<8x128x128xf32, #tpu.memory_space<hbm>> -> memref<1x32x128xf32, #tpu.memory_space<hbm>>
      %dma_start3A_234 = tpu.memref_squeeze %dma_start3A_233 : memref<1x32x128xf32, #tpu.memory_space<hbm>> -> memref<32x128xf32, #tpu.memory_space<hbm>>
      %dma_start3A_235 = arith.constant 0 : i32
      %dma_start3A_236 = tpu.memref_slice %arg9[%select_n3A, %mul3A_50, %dma_start3A_235] : memref<8x128x128xf32, #tpu.memory_space<hbm>> -> memref<1x32x128xf32, #tpu.memory_space<hbm>>
      %dma_start3A_237 = tpu.memref_squeeze %dma_start3A_236 : memref<1x32x128xf32, #tpu.memory_space<hbm>> -> memref<32x128xf32, #tpu.memory_space<hbm>>
      %dma_start3A_238 = arith.constant 0 : i32
      %dma_start3A_239 = arith.constant 0 : i32
      %dma_start3A_240 = tpu.memref_slice %arg19[%dma_start3A_238, %dma_start3A_239] : memref<128x128xf32, #tpu.memory_space<vmem>> -> memref<32x128xf32, #tpu.memory_space<vmem>>
      tpu.enqueue_dma source(%dma_start3A_240 : memref<32x128xf32, #tpu.memory_space<vmem>>) target(%dma_start3A_237 : memref<32x128xf32, #tpu.memory_space<hbm>>) target_semaphore(%arg29 : memref<!tpu.dma_semaphore, #tpu.memory_space<semaphore_mem>>)
    } else {
    }
    %add3A_187 = arith.constant 0 : i32
    %add3A_188 = arith.addi %mul3A_32, %add3A_187 : i32
    %dma_wait3A_189 = arith.constant 0 : i32
    %dma_wait3A_190 = tpu.memref_slice %arg8[%select_n3A, %add3A_188, %dma_wait3A_189] : memref<8x2048x128xf32, #tpu.memory_space<hbm>> -> memref<1x128x128xf32, #tpu.memory_space<hbm>>
    %dma_wait3A_191 = tpu.memref_squeeze %dma_wait3A_190 : memref<1x128x128xf32, #tpu.memory_space<hbm>> -> memref<128x128xf32, #tpu.memory_space<hbm>>
    %dma_wait3A_192 = arith.constant 0 : i32
    %dma_wait3A_193 = tpu.memref_slice %arg8[%select_n3A, %add3A_188, %dma_wait3A_192] : memref<8x2048x128xf32, #tpu.memory_space<hbm>> -> memref<1x128x128xf32, #tpu.memory_space<hbm>>
    %dma_wait3A_194 = tpu.memref_squeeze %dma_wait3A_193 : memref<1x128x128xf32, #tpu.memory_space<hbm>> -> memref<128x128xf32, #tpu.memory_space<hbm>>
    tpu.wait_dma2 semaphore(%arg34 : memref<!tpu.dma_semaphore, #tpu.memory_space<semaphore_mem>>) src(%arg14 : memref<128x128xf32, #tpu.memory_space<vmem>>) dst(%dma_wait3A_194 : memref<128x128xf32, #tpu.memory_space<hbm>>)
    %add3A_195 = arith.constant 128 : i32
    %add3A_196 = arith.addi %mul3A_32, %add3A_195 : i32
    %dma_wait3A_197 = arith.constant 0 : i32
    %dma_wait3A_198 = tpu.memref_slice %arg8[%select_n3A, %add3A_196, %dma_wait3A_197] : memref<8x2048x128xf32, #tpu.memory_space<hbm>> -> memref<1x128x128xf32, #tpu.memory_space<hbm>>
    %dma_wait3A_199 = tpu.memref_squeeze %dma_wait3A_198 : memref<1x128x128xf32, #tpu.memory_space<hbm>> -> memref<128x128xf32, #tpu.memory_space<hbm>>
    %dma_wait3A_200 = arith.constant 0 : i32
    %dma_wait3A_201 = tpu.memref_slice %arg8[%select_n3A, %add3A_196, %dma_wait3A_200] : memref<8x2048x128xf32, #tpu.memory_space<hbm>> -> memref<1x128x128xf32, #tpu.memory_space<hbm>>
    %dma_wait3A_202 = tpu.memref_squeeze %dma_wait3A_201 : memref<1x128x128xf32, #tpu.memory_space<hbm>> -> memref<128x128xf32, #tpu.memory_space<hbm>>
    tpu.wait_dma2 semaphore(%arg35 : memref<!tpu.dma_semaphore, #tpu.memory_space<semaphore_mem>>) src(%arg15 : memref<128x128xf32, #tpu.memory_space<vmem>>) dst(%dma_wait3A_202 : memref<128x128xf32, #tpu.memory_space<hbm>>)
    %add3A_203 = arith.constant 256 : i32
    %add3A_204 = arith.addi %mul3A_32, %add3A_203 : i32
    %dma_wait3A_205 = arith.constant 0 : i32
    %dma_wait3A_206 = tpu.memref_slice %arg8[%select_n3A, %add3A_204, %dma_wait3A_205] : memref<8x2048x128xf32, #tpu.memory_space<hbm>> -> memref<1x128x128xf32, #tpu.memory_space<hbm>>
    %dma_wait3A_207 = tpu.memref_squeeze %dma_wait3A_206 : memref<1x128x128xf32, #tpu.memory_space<hbm>> -> memref<128x128xf32, #tpu.memory_space<hbm>>
    %dma_wait3A_208 = arith.constant 0 : i32
    %dma_wait3A_209 = tpu.memref_slice %arg8[%select_n3A, %add3A_204, %dma_wait3A_208] : memref<8x2048x128xf32, #tpu.memory_space<hbm>> -> memref<1x128x128xf32, #tpu.memory_space<hbm>>
    %dma_wait3A_210 = tpu.memref_squeeze %dma_wait3A_209 : memref<1x128x128xf32, #tpu.memory_space<hbm>> -> memref<128x128xf32, #tpu.memory_space<hbm>>
    tpu.wait_dma2 semaphore(%arg36 : memref<!tpu.dma_semaphore, #tpu.memory_space<semaphore_mem>>) src(%arg16 : memref<128x128xf32, #tpu.memory_space<vmem>>) dst(%dma_wait3A_210 : memref<128x128xf32, #tpu.memory_space<hbm>>)
    %add3A_211 = arith.constant 384 : i32
    %add3A_212 = arith.addi %mul3A_32, %add3A_211 : i32
    %dma_wait3A_213 = arith.constant 0 : i32
    %dma_wait3A_214 = tpu.memref_slice %arg8[%select_n3A, %add3A_212, %dma_wait3A_213] : memref<8x2048x128xf32, #tpu.memory_space<hbm>> -> memref<1x128x128xf32, #tpu.memory_space<hbm>>
    %dma_wait3A_215 = tpu.memref_squeeze %dma_wait3A_214 : memref<1x128x128xf32, #tpu.memory_space<hbm>> -> memref<128x128xf32, #tpu.memory_space<hbm>>
    %dma_wait3A_216 = arith.constant 0 : i32
    %dma_wait3A_217 = tpu.memref_slice %arg8[%select_n3A, %add3A_212, %dma_wait3A_216] : memref<8x2048x128xf32, #tpu.memory_space<hbm>> -> memref<1x128x128xf32, #tpu.memory_space<hbm>>
    %dma_wait3A_218 = tpu.memref_squeeze %dma_wait3A_217 : memref<1x128x128xf32, #tpu.memory_space<hbm>> -> memref<128x128xf32, #tpu.memory_space<hbm>>
    tpu.wait_dma2 semaphore(%arg37 : memref<!tpu.dma_semaphore, #tpu.memory_space<semaphore_mem>>) src(%arg17 : memref<128x128xf32, #tpu.memory_space<vmem>>) dst(%dma_wait3A_218 : memref<128x128xf32, #tpu.memory_space<hbm>>)
    %dma_wait3A_219 = arith.constant 0 : i32
    %dma_wait3A_220 = tpu.memref_slice %arg9[%select_n3A, %mul3A_50, %dma_wait3A_219] : memref<8x128x128xf32, #tpu.memory_space<hbm>> -> memref<1x32x128xf32, #tpu.memory_space<hbm>>
    %dma_wait3A_221 = tpu.memref_squeeze %dma_wait3A_220 : memref<1x32x128xf32, #tpu.memory_space<hbm>> -> memref<32x128xf32, #tpu.memory_space<hbm>>
    %dma_wait3A_222 = arith.constant 0 : i32
    %dma_wait3A_223 = tpu.memref_slice %arg9[%select_n3A, %mul3A_50, %dma_wait3A_222] : memref<8x128x128xf32, #tpu.memory_space<hbm>> -> memref<1x32x128xf32, #tpu.memory_space<hbm>>
    %dma_wait3A_224 = tpu.memref_squeeze %dma_wait3A_223 : memref<1x32x128xf32, #tpu.memory_space<hbm>> -> memref<32x128xf32, #tpu.memory_space<hbm>>
    tpu.wait_dma2 semaphore(%arg29 : memref<!tpu.dma_semaphore, #tpu.memory_space<semaphore_mem>>) src(%arg18 : memref<32x128xf32, #tpu.memory_space<vmem>>) dst(%dma_wait3A_224 : memref<32x128xf32, #tpu.memory_space<hbm>>)
    %dma_wait3A_225 = tpu.memref_slice %arg10[%select_n3A, %mul3A_32] : memref<8x2048xi32, #tpu.memory_space<hbm>> -> memref<1x512xi32, #tpu.memory_space<hbm>>
    %dma_wait3A_226 = tpu.memref_squeeze %dma_wait3A_225 : memref<1x512xi32, #tpu.memory_space<hbm>> -> memref<512xi32, #tpu.memory_space<hbm>>
    %dma_wait3A_227 = tpu.memref_slice %arg10[%select_n3A, %mul3A_32] : memref<8x2048xi32, #tpu.memory_space<hbm>> -> memref<1x512xi32, #tpu.memory_space<hbm>>
    %dma_wait3A_228 = tpu.memref_squeeze %dma_wait3A_227 : memref<1x512xi32, #tpu.memory_space<hbm>> -> memref<512xi32, #tpu.memory_space<hbm>>
    tpu.wait_dma2 semaphore(%arg27 : memref<!tpu.dma_semaphore, #tpu.memory_space<semaphore_mem>>) src(%arg20 : memref<512xi32, #tpu.memory_space<vmem>>) dst(%dma_wait3A_228 : memref<512xi32, #tpu.memory_space<hbm>>)
    return
  }
}

</mosaic_0001>

<sc_bundles>
// kernel: _run_sc.3.cloned.1.call-start
scs
__scs_entry_jumppad:
0x0: {  	(pc) =	sbr.rel $0x88, $3  }
0x1: {  	(tag) =	ssettag $0x0;
	lr =	simm.s32 $0x1  }
0x2: {  	[smem:$0x3F9B] =	sst lr;
	_ =	strace $0xD0000000  }
0x3: {  	_ = 	snop  }
0x4: {  	_ = 	snop  }
0x5: {  	_ = 	snop  }
0x6: {  	_ = 	snop  }
0x7: {  	_ = 	snop  }
__scs_overlays_trampoline_lowered:
0x8: {  	[smem:$0x3FAA] =	sst s0  }
0x9: {  	[smem:$0x3FAB] =	sst s1  }
0xa: {  	[smem:$0x3FAC] =	sst s2  }
0xb: {  	[smem:$0x3FAD] =	sst s3  }
0xc: {  	[smem:$0x3FAE] =	sst s4  }
0xd: {  	[smem:$0x3FAF] =	sst s5  }
0xe: {  	[smem:$0x3FB0] =	sst s6  }
0xf: {  	[smem:$0x3FB1] =	sst s7  }
0x10: {  	[smem:$0x3FB2] =	sst s8  }
0x11: {  	[smem:$0x3FB3] =	sst s9;
	s0 =	simm.s32 @!p0 $0x0  }
0x12: {  	s1 =	sld [smem:$0x3F99];
	s0 =	simm.s32 @p0 $0x1  }
0x13: {  	[smem:$0x3FB4] =	sst s0;
	s0 =	simm.s32 @!p1 $0x0  }
0x14: {  	s2 =	sld [smem:$0x3F98];
	s0 =	simm.s32 @p1 $0x1  }
0x15: {  	[smem:$0x3FB5] =	sst s0;
	s0 =	simm.s32 @!p2 $0x0  }
0x16: {  	s3 =	sld [smem:$0x3FDB];
	s0 =	simm.s32 @p2 $0x1  }
0x17: {  	s4 =	simm.s32 $0x1BF5;
	[smem:$0x3FB7] =	sst s0  }
0x18: {  	s0 =	sld [smem:$0x3F9A];
	_ =	swait.ge [sflag:s4], $0x0  }
0x19: {  	s7 =	sld [smem:$0x3F9B]  }
0x1a: {  	s8 =	sadd.s32 $0xFFFFE003, lr  }
0x1b: {  	s9 =	sadd.s32 $0xFFFFFEF7, lr;
	s5 =	simm.s32 $0xFFFFFFFF;
	p2 =	slt.u32 s8, $0xFFFFF086  }
0x1c: {  	p1 =	slt.u32 s9, $0xF7A;
	s5 =	simm.s32 @!p2 $0x0  }
0x1d: {  	s5 =	simm.s32 @p1 $0x1;
	p0 =	seq.s32 s7, s2  }
0x1e: {  	s7 =	smul.u32 @!p0 $0xF7A, s2;
	p2 =	seq.s32 @!p0 s5, $0x0  }
0x1f: {  	s9 =	smul.u32 $0xF7A, s1;
	s8 =	simm.s32 @!p0 $0x1BF5;
	p2 =	por !p2, p0  }
0x20: {  	[sflag:s8] =	ssyncset.s32 @!p0 $0xFFFFF086;
	s6 =	sadd.s32 @!p0 s3, s7;
	s7 =	simm.s32 @!p0 $0x108  }
0x21: {  	s3 =	sadd.s32 s3, s9;
	s6 =	sadd.s32 @!p0 $0x88, s6;
	s7 =	simm.s32 @p2 $0x1082  }
0x22: {  	[simem:s7], [sflag:s8] =	dma.local @!p0 [hbm:s6], $0xF7A  }
0x23: {  	s9 =	sor.u32 $0xD0000000, s2;
	s6 =	simm.s32 $0x108;
	_ =	swait.ge @!p0 [sflag:s8], $0x0  }
0x24: {  	s3 =	sadd.s32 $0x88, s3;
	s6 =	simm.s32 @!p1 $0x1082;
	[sflag:s4] =	ssyncset.s32 $0xFFFFF086  }
0x25: {  	[simem:s6], [sflag:s4] =	dma.local [hbm:s3], $0xF7A  }
0x26: {  	[smem:$0x3F9B] =	sst s1;
	(tag) =	ssettag s2;
	_ =	strace s9  }
0x27: {  	s1 =	sld [smem:$0x3FAB]  }
0x28: {  	s2 =	sld [smem:$0x3FAC]  }
0x29: {  	s4 =	sld [smem:$0x3FAE]  }
0x2a: {  	p0 =	seq.s32 s5, $0x0;
	s5 =	sld [smem:$0x3FAF]  }
0x2b: {  	s6 =	sld [smem:$0x3FB0]  }
0x2c: {  	s7 =	sld [smem:$0x3FB1]  }
0x2d: {  	s3 =	simm.s32 $0x108;
	s8 =	sld [smem:$0x3FB2]  }
0x2e: {  	s3 =	simm.s32 @!p0 $0x1082;
	s9 =	sld [smem:$0x3FB3]  }
0x2f: {  	lr =	sadd.s32 s0, s3;
	s0 =	sld [smem:$0x3FAA]  }
0x30: {  	s3 =	sld [smem:$0x3FAD]  }
0x31: {  	[smem:$0x3FB6] =	sst s10  }
0x32: {  	s10 =	sld [smem:$0x3FB4];
	_ =	sdelay $0x3  }
0x33: {  	p0 =	seq.s32 s10, $0x1;
	s10 =	sld [smem:$0x3FB6];
	_ =	sdelay $0x3  }
0x34: {  	[smem:$0x3FB6] =	sst s10  }
0x35: {  	s10 =	sld [smem:$0x3FB5];
	_ =	sdelay $0x3  }
0x36: {  	p1 =	seq.s32 s10, $0x1;
	s10 =	sld [smem:$0x3FB6];
	_ =	sdelay $0x3  }
0x37: {  	[smem:$0x3FB6] =	sst s10  }
0x38: {  	s10 =	sld [smem:$0x3FB7]  }
0x39: {  	_ = 	snop;
	(pc) =	sbr.ind lr, $3  }
0x3a: {  	_ = 	snop  }
0x3b: {  	_ = 	snop  }
0x3c: {  	p2 =	seq.s32 s10, $0x1;
	s10 =	sld [smem:$0x3FB6]  }
0x3d: {  	_ =	shalt  }
0x3e: {  	_ =	shalt  }
0x3f: {  	_ =	shalt  }
0x40: {  	_ =	shalt  }
0x41: {  	_ =	shalt  }
0x42: {  	_ =	shalt  }
0x43: {  	_ =	shalt  }
0x44: {  	_ =	shalt  }
0x45: {  	_ =	shalt  }
0x46: {  	_ =	shalt  }
0x47: {  	_ =	shalt  }
0x48: {  	_ =	shalt  }
0x49: {  	_ =	shalt  }
0x4a: {  	_ =	shalt  }
0x4b: {  	_ =	shalt  }
0x4c: {  	_ =	shalt  }
0x4d: {  	_ =	shalt  }
0x4e: {  	_ =	shalt  }
0x4f: {  	_ =	shalt  }
0x50: {  	_ =	shalt  }
0x51: {  	_ =	shalt  }
0x52: {  	_ =	shalt  }
0x53: {  	_ =	shalt  }
0x54: {  	_ =	shalt  }
0x55: {  	_ =	shalt  }
0x56: {  	_ =	shalt  }
0x57: {  	_ =	shalt  }
0x58: {  	_ =	shalt  }
0x59: {  	_ =	shalt  }
0x5a: {  	_ =	shalt  }
0x5b: {  	_ =	shalt  }
0x5c: {  	_ =	shalt  }
0x5d: {  	_ =	shalt  }
0x5e: {  	_ =	shalt  }
0x5f: {  	_ =	shalt  }
0x60: {  	_ =	shalt  }
0x61: {  	_ =	shalt  }
0x62: {  	_ =	shalt  }
0x63: {  	_ =	shalt  }
0x64: {  	_ =	shalt  }
0x65: {  	_ =	shalt  }
0x66: {  	_ =	shalt  }
0x67: {  	_ =	shalt  }
0x68: {  	_ =	shalt  }
0x69: {  	_ =	shalt  }
0x6a: {  	_ =	shalt  }
0x6b: {  	_ =	shalt  }
0x6c: {  	_ =	shalt  }
0x6d: {  	_ =	shalt  }
0x6e: {  	_ =	shalt  }
0x6f: {  	_ =	shalt  }
0x70: {  	_ =	shalt  }
0x71: {  	_ =	shalt  }
0x72: {  	_ =	shalt  }
0x73: {  	_ =	shalt  }
0x74: {  	_ =	shalt  }
0x75: {  	_ =	shalt  }
0x76: {  	_ =	shalt  }
0x77: {  	_ =	shalt  }
0x78: {  	_ =	shalt  }
0x79: {  	_ =	shalt  }
0x7a: {  	_ =	shalt  }
0x7b: {  	_ =	shalt  }
0x7c: {  	_ =	shalt  }
0x7d: {  	_ =	shalt  }
0x7e: {  	_ =	shalt  }
0x7f: {  	_ =	shalt  }
0x80: {  	_ =	shalt  }
0x81: {  	_ =	shalt  }
0x82: {  	_ =	shalt  }
0x83: {  	_ =	shalt  }
0x84: {  	_ =	shalt  }
0x85: {  	_ =	shalt  }
0x86: {  	_ =	shalt  }
0x87: {  	_ =	shalt  }
.Lfunc_end0:
.L_simem_size_0:
called_computation_lowered:
.L_overlay_start_0:
0x88: {  	s2 =	sld [smem:$0x3FD9]  }
0x89: {  	s3 =	sld [smem:$0x3FFE];
	_ =	sdelay $0x1  }
0x8a: {  	s1 =	srdreg.scid  }
0x8b: {  	s0 =	sand.u32 $0x1, s1  }
0x8c: {  	s30 =	sshll.u32 s0, $0xA;
	s2 =	sadd.s32 s3, s2  }
0x8d: {  	s2 =	sadd.s32 s2, s30  }
0x8e: {  	[smem:$0x3FC2] =	sst s2  }
0x8f: {  	_ = 	snop  }
0x90: {  	s2 =	sld [smem:$0x3FC9]  }
0x91: {  	s31 =	sld [smem:$0x3FC8]  }
0x92: {  	s4 =	sld [smem:$0x3FC7]  }
0x93: {  	s5 =	sld [smem:$0x3FD0]  }
0x94: {  	s6 =	sld [smem:$0x3FC6]  }
0x95: {  	s7 =	sld [smem:$0x3FC5]  }
0x96: {  	s9 =	simm.s32 $0xA;
	s10 =	simm.s32 $0x10;
	s8 =	sld [smem:$0x3FC4]  }
0x97: {  	[smem:s10], [sflag:s9] =	dma.local [hbm:s5], $0x1  }
0x98: {  	_ =	swait.eq [sflag:s9], $0x1  }
0x99: {  	s17 =	sld [smem:$0x10]  }
0x9a: {  	s18 =	sld [smem:$0x11];
	[sflag:s9] =	ssyncset.done $0x0  }
0x9b: {  	s11 =	sld [smem:$0x12];
	[sflag:s9] =	ssyncadd.s32 $0xFFFFFFFF  }
0x9c: {  	s19 =	sld [smem:$0x13];
	(tm) =	ssettm $0x1  }
0x9d: {  	s12 =	sld [smem:$0x3FFB];
	_ =	sdelay $0x3  }
0x9e: {  	_ =	strace s12  }
0x9f: {  	s12 =	sld [smem:$0x3FFC];
	_ =	sdelay $0x3  }
0xa0: {  	_ =	strace s12  }
0xa1: {  	s12 =	sld [smem:$0x3FFD];
	_ =	sdelay $0x3  }
0xa2: {  	_ =	strace s12  }
0xa3: {  	_ =	strace $0x8FFFFFFF  }
0xa4: {  	s20 =	sld [smem:$0x3FDB];
	_ =	sdelay $0x1  }
0xa5: {  	s13 =	simm.s32 $_scs_section_size  }
0xa6: {  	s14 =	simm.s32 $_size__tile_overlayer_lowered;
	s15 =	simm.s32 $_tile_overlayer_lowered  }
0xa7: {  	s23 =	simm.s32 $0x1BFF;
	s22 =	sshll.u32 s15, $0x1;
	s12 =	sadd.s32 s13, s20  }
0xa8: {  	s16 =	simm.s32 $0x0;
	s21 =	sshll.u32 s14, $0x1;
	s14 =	sadd.s32 s22, s12  }
0xa9: {  	[timem:s16], [sflag:s23] =	dma.local [hbm:s14], s21  }
0xaa: {  	_ =	swait.ge [sflag:s23], s21  }
0xab: {  	s13 =	ssub.s32 $0x0, s21;
	[sflag:s23] =	ssyncset.done $0x0  }
0xac: {  	[sflag:s23] =	ssyncadd.s32 s13;
	_ =	sdelay $0x1  }
0xad: {  	s24 =	simm.s32 $0x1B8B  }
0xae: {  	_ =	swait.ge [sflag:s24], $0x1  }
0xaf: {  	[sflag:s24] =	ssyncset.done $0x0  }
0xb0: {  	s25 =	simm.s32 $0x1B8E;
	[sflag:s24] =	ssyncadd.s32 $0xFFFFFFFF  }
0xb1: {  	s26 =	simm.s32 $execute0_lowered;
	[smem:$0x3FD2] =	sst s25  }
0xb2: {  	s13 =	sshll.u32 s26, $0x1;
	_ =	strace $0x80000046;
	[dreg:$0x1] =	wrdreg $0xFFFFFFFF  }
0xb3: {  	s28 =	simm.s32 $_size_execute0_lowered;
	s12 =	sadd.s32 s12, s13;
	[dreg:$0x0] =	wrdreg $0x0  }
0xb4: {  	s13 =	sshll.u32 s28, $0x1;
	[dreg:$0x2] =	wrdreg s12  }
0xb5: {  	[dreg:$0x3] =	wrdreg s13  }
0xb6: {  	[dreg:$0x4] =	wrdreg $0xC0  }
0xb7: {  	_ =	task [dreg:s16], $0x5FFFF  }
0xb8: {  	[dreg:$0x1] =	wrdreg $0xFFFFFFFF  }
0xb9: {  	[dreg:$0x0] =	wrdreg $0x60  }
0xba: {  	[dreg:$0x2] =	wrdreg s2  }
0xbb: {  	[dreg:$0x3] =	wrdreg s31  }
0xbc: {  	[dreg:$0x4] =	wrdreg s4  }
0xbd: {  	[dreg:$0x5] =	wrdreg s6  }
0xbe: {  	[dreg:$0x6] =	wrdreg s7  }
0xbf: {  	[dreg:$0x7] =	wrdreg s8  }
0xc0: {  	[dreg:$0x8] =	wrdreg s17  }
0xc1: {  	[dreg:$0x9] =	wrdreg s18  }
0xc2: {  	[dreg:$0xa] =	wrdreg s11  }
0xc3: {  	[dreg:$0xb] =	wrdreg s19  }
0xc4: {  	[dreg:$0xc] =	wrdreg $0x9  }
0xc5: {  	_ =	task.clear_ibuf [dreg:s16], $0xDFFFF;
	_ =	strace $0x90000046  }
0xc6: {  	s29 =	simm.s32 $0x9;
	_ =	strace $0x80000048  }
0xc7: {  	_ =	swait.ge [sflag:s29], $0x1  }
0xc8: {  	[sflag:s29] =	ssyncadd.s32 $0xFFFFFFFF  }
0xc9: {  	_ =	strace $0x90000048  }
0xca: {  	_ =	sfence  }
0xcb: {  	s30 =	sld [smem:$0x0];
	_ =	sdelay $0x2  }
0xcc: {  	s31 =	sshll.u32 s1, $0xD;
	s1 =	sshrl.u32 s1, $0x2  }
0xcd: {  	s3 =	sand.u32 $0x4000, s31;
	s1 =	sadd.s32 s1, s30  }
0xce: {  	s0 =	sor.u32 s3, s0;
	s1 =	sshll.u32 s1, $0x11  }
0xcf: {  	s0 =	sor.u32 s1, s0  }
0xd0: {  	s0 =	sadd.s32 $0x8F2B, s0  }
0xd1: {  	[sflag:s0] =	ssyncadd.remote.s32 $0x1  }
0xd2: {  	_ =	sfence.sel $0xFFFF  }
0xd3: {  	[dreg:$0x0] =	wrdreg $0xFFFFFFFF;
	(pc) =	sbr.abs _section_cstart, $3  }
0xd4: {  	[dreg:$0x1] =	wrdreg $0xFFFFFFFF  }
0xd5: {  	_ =	task.clear_ibuf [dreg:s16], $0x2FFFF;
	_ =	strace $0x9FFFFFFF  }
0xd6: {  	(tm) =	ssettm $0x7FFFFFFF  }
0xd7: {  	_ =	shalt  }
tec
execute0_lowered:
.L_overlay_start_1:
0x0: {  	(tag) =	ssettag $0x1  }
0x1: {  	s0 =	rddreg [dreg:$0x0]  }
0x2: {  	s1 =	rddreg [dreg:$0x1]  }
0x3: {  	s19 =	rddreg [dreg:$0x2]  }
0x4: {  	s21 =	rddreg [dreg:$0x3]  }
0x5: {  	s2 =	rddreg [dreg:$0x4]  }
0x6: {  	s3 =	rddreg [dreg:$0x5]  }
0x7: {  	s4 =	rddreg [dreg:$0x6]  }
0x8: {  	s5 =	rddreg [dreg:$0x7]  }
0x9: {  	s10 =	rddreg [dreg:$0x8];
	s7 =	srdreg.scid  }
0xa: {  	s9 =	stileid.u32;
	s6 =	simm.s32 $0x0;
	s31 =	simm.s32 $0x400  }
0xb: {  	s28 =	simm.s32 $0x0;
	s8 =	sand.u32 $0x1, s7;
	s20 =	sshll.u32 s9, $0x1  }
0xc: {  	[smem:$0x7FF] =	sst s6;
	s7 =	sshrl.u32 s9, $0x1;
	s11 =	sor.u32 s8, s20  }
0xd: {  	_ =	strace $0x80000047;
	s22 =	ssub.s32 $0x2, s8;
	s14 =	sshll.u32 s7, $0x7  }
0xe: {  	s24 =	sshll.u32 s7, $0xF;
	s26 =	sshll.u32 s7, $0xE;
	s12 =	sand.u32 $0x3, s11  }
0xf: {  	s15 =	sshrl.u32 s22, $0x1;
	p0 =	sne.s32 s11, $0x0;
	s13 =	sshll.u32 s12, $0xC  }
0x10: {  	s8 =	sshll.u32 s12, $0x5;
	s15 =	ssub.s32 s22, s15;
	s9 =	sshll.u32 s12, $0x9  }
0x11: {  	s25 =	sshll.u32 s12, $0xD;
	s16 =	sor.u32 s14, s13;
	s14 =	sor.u32 s14, s8  }
0x12: {  	s30 =	smax.u32 s15, $0x1;
	s17 =	sxor.u32 $0xFFFFFFFF, s9;
	s15 =	sxor.u32 $0xFFFFFF7F, s9  }
0x13: {  	s16 =	sshrl.u32 s16, $0x3;
	s23 =	sshrl.u32 s14, $0x3;
	[dreg:$0xb] =	wrdreg s17  }
0x14: {  	[dreg:$0x11] =	wrdreg s15;
	s17 =	sxor.u32 $0xFFFFFE7F, s9;
	s22 =	sadd.s32 s0, s16  }
0x15: {  	s14 =	sadd.s32 s2, s23;
	s20 =	sadd.s32 s1, s16;
	s0 =	sadd.s32 s4, s24  }
0x16: {  	s4 =	sadd.s32 s10, s16;
	s10 =	sor.u32 s26, s13;
	s13 =	sshll.u32 s12, $0x12  }
0x17: {  	[dreg:$0x13] =	wrdreg s17;
	s23 =	sadd.s32 s25, s0;
	s0 =	sshrl.u32 s10, $0x3  }
0x18: {  	s16 =	ssub.s32 $0x100, s13;
	s10 =	sshll.u32 s12, $0xE;
	s24 =	sadd.s32 $0x800, s23  }
0x19: {  	s25 =	sadd.s32 $0x1000, s23;
	s29 =	sadd.s32 s5, s0;
	s0 =	sshrl.u32 s13, $0x2  }
0x1a: {  	s1 =	sshra.s32 s16, $0x2;
	s16 =	sxor.u32 $0xFFFFFEFF, s9;
	s18 =	sxor.u32 $0xFFFFC000, s0  }
0x1b: {  	s1 =	sor.u32 $0x280, s1;
	s12 =	sxor.u32 $0xFFFF8000, s0;
	[dreg:$0x12] =	wrdreg s16  }
0x1c: {  	s0 =	sxor.u32 $0xFFFF4000, s0;
	[dreg:$0xc] =	wrdreg s1;
	s5 =	sadd.s32 $0x4280, s18  }
.Ltmp0:
0x1d: {  	s2 =	sadd.s32 $0x8280, s12;
	[dreg:$0xd] =	wrdreg s5;
	(pc) =	sbr.rel .LBB2_1-.Ltmp0, $4  }
0x1e: {  	s1 =	ssub.s32 $0x100, s10;
	s0 =	sadd.s32 $0xC280, s0;
	[dreg:$0xe] =	wrdreg s2  }
0x1f: {  	s18 =	sxor.u32 $0xFFFFFFFF, s8;
	s1 =	sshra.s32 s1, $0x2;
	[dreg:$0xf] =	wrdreg s0  }
0x20: {  	v0 =	vimm.f32 $0.0e+00;
	s26 =	sadd.s32 $0x1800, s23;
	[dreg:$0x14] =	wrdreg s18;
	s13 =	sadd.s32 $0x10280, s1  }
0x21: {  	v1 =	vlaneseq.u32;
	vm0 =	vcmask $0x300;
	vm1 =	vcmask $0x704;
	s2 =	simm.s32 $0x15280;
	s1 =	simm.s32 $0x80;
	[dreg:$0x10] =	wrdreg s13  }
.LBB2_30:
0x22: {  	s10 =	simm.s32 @!p1 $0x10280  }
0x23: {  	s2 =	simm.s32 $0x15280;
	s10 =	simm.s32 @p1 $0x11280  }
.LBB2_34:
0x24: {  	[hbm4b:s29+s6] =	stream.linear.scatter [tilespmem:s10], [sflag:$0x6], $0x1000, $0x38;
	[tilespmem:$0x15600] =	vst v63  }
0x25: {  	s0 =	simm.s32 $0xB  }
0x26: {  	_ =	swait.ge [sflag:s0], $0x4000  }
0x27: {  	[sflag:s0] =	ssyncset.done $0x0  }
0x28: {  	s13 =	simm.s32 $0xC;
	[sflag:s0] =	ssyncadd.s32 $0xFFFFC000  }
0x29: {  	_ =	swait.ge [sflag:s13], $0x4000  }
0x2a: {  	[sflag:s13] =	ssyncset.done $0x0  }
0x2b: {  	s15 =	simm.s32 $0xD;
	[sflag:s13] =	ssyncadd.s32 $0xFFFFC000  }
0x2c: {  	_ =	swait.ge [sflag:s15], $0x4000  }
0x2d: {  	[sflag:s15] =	ssyncset.done $0x0  }
0x2e: {  	s16 =	simm.s32 $0xE;
	[sflag:s15] =	ssyncadd.s32 $0xFFFFC000  }
0x2f: {  	_ =	swait.ge [sflag:s16], $0x4000  }
0x30: {  	[sflag:s16] =	ssyncset.done $0x0  }
0x31: {  	s17 =	simm.s32 $0x6;
	s28 =	sadd.s32 $0x1, s28;
	[sflag:s16] =	ssyncadd.s32 $0xFFFFC000  }
0x32: {  	p1 =	sne.s32 s28, s30;
	_ =	swait.ge [sflag:s17], $0x1000  }
.Ltmp1:
0x33: {  	[sflag:s17] =	ssyncset.done $0x0;
	(pc) =	sbr.rel @!p1 .LBB2_35-.Ltmp1, $4  }
0x34: {  	s18 =	simm.s32 $0x4;
	[sflag:s17] =	ssyncadd.s32 $0xFFFFF000  }
0x35: {  	_ =	swait.ge [sflag:s18], $0x200  }
0x36: {  	[sflag:s18] =	ssyncset.done $0x0  }
0x37: {  	[sflag:s18] =	ssyncadd.s32 $0xFFFFFE00  }
.LBB2_1:
0x38: {  	[tilespmem:s6], [sflag:$0x1] =	stream.strided.gather [hbm4b:s22+s1], $0x200, s31, s1, $0x38;
	[tilespmem:$0x15600] =	vst v63  }
0x39: {  	s0 =	simm.s32 $0x200  }
0x3a: {  	[tilespmem:s0], [sflag:$0x2] =	stream.linear.gather [hbm4b:s14+s6], $0x20, $0x38;
	[tilespmem:$0x15600] =	vst v63  }
0x3b: {  	_ = 	snop  }
0x3c: {  	[tilespmem:s2], [sflag:$0x3] =	stream.strided.gather [hbm4b:s20+s1], $0x200, s31, s1, $0x38;
	[tilespmem:$0x15600] =	vst v63  }
0x3d: {  	s15 =	simm.s32 $0x15480;
	s16 =	simm.s32 $0xF  }
0x3e: {  	[tilespmem:s15], [sflag:$0xF] =	stream.linear.gather [hbm4b:s19+s6], $0x8, $0x38;
	[tilespmem:$0x15600] =	vst v63  }
0x3f: {  	_ =	swait.ge [sflag:s16], $0x8  }
0x40: {  	[sflag:s16] =	ssyncset.done $0x0  }
0x41: {  	s5 =	simm.s32 $0x15500;
	[sflag:s16] =	ssyncadd.s32 $0xFFFFFFF8  }
0x42: {  	[tilespmem:s5], [sflag:$0xF] =	stream.linear.gather [hbm4b:s21+s6], $0x8, $0x38;
	[tilespmem:$0x15600] =	vst v63  }
0x43: {  	_ =	swait.ge [sflag:s16], $0x8  }
0x44: {  	[sflag:s16] =	ssyncset.done $0x0  }
0x45: {  	[sflag:s16] =	ssyncadd.s32 $0xFFFFFFF8  }
0x46: {  	v2 =	vld [tilespmem:s7+$0x15480]  }
0x47: {  	v3 =	vld [tilespmem:s7+$0x15500];
	_ =	sdelay $0x3  }
0x48: {  	(v2sf) =	vpush v2, $0x0  }
0x49: {  	(v2sf) =	vpush v3, $0x0;
	_ =	sdelay $0xd  }
0x4a: {  	s10 =	spop (v2sf)  }
0x4b: {  	s17 =	simm.s32 $0x1;
	s5 =	spop (v2sf);
	s15 =	ssub.s32 s10, s9  }
0x4c: {  	_ =	swait.ge [sflag:s17], $0x200;
	p5 =	slt.s32 s15, $0x1  }
0x4d: {  	s13 =	sadd.s32 $0xFFFFFF80, s15;
	[sflag:s17] =	ssyncset.done $0x0;
	s11 =	simm.s32 @!p5 $0x80  }
0x4e: {  	s12 =	simm.s32 @!p5 $0x0;
	s16 =	simm.s32 @!p5 $0x280;
	[sflag:s17] =	ssyncadd.s32 $0xFFFFFE00  }
0x4f: {  	[tilespmem:s16], [sflag:$0x7] =	stream.indirect.gather @!p5 [hbm4b:s3+s11], $0x80, s12, s11, $0xb8;
	[tilespmem:$0x15600] =	vst v63  }
0x50: {  	p4 =	slt.s32 s13, $0x1;
	s12 =	sadd.s32 $0xFFFFFF00, s15  }
0x51: {  	s11 =	simm.s32 @!p4 $0x80;
	s16 =	simm.s32 @!p4 $0x4280;
	p3 =	slt.s32 s12, $0x1  }
0x52: {  	[tilespmem:s16], [sflag:$0x8] =	stream.indirect.gather @!p4 [hbm4b:s3+s11], $0x80, s11, s11, $0xb8;
	[tilespmem:$0x15600] =	vst v63  }
0x53: {  	s11 =	sadd.s32 $0xFFFFFE80, s15;
	s16 =	simm.s32 @!p3 $0x80  }
0x54: {  	s17 =	simm.s32 @!p3 $0x100;
	s18 =	simm.s32 @!p3 $0x8280;
	p2 =	slt.s32 s11, $0x1  }
0x55: {  	[tilespmem:s18], [sflag:$0x9] =	stream.indirect.gather @!p3 [hbm4b:s3+s16], $0x80, s17, s16, $0xb8;
	[tilespmem:$0x15600] =	vst v63  }
0x56: {  	s16 =	simm.s32 @!p2 $0x80;
	s17 =	simm.s32 @!p2 $0x180;
	s18 =	simm.s32 @!p2 $0xC280  }
0x57: {  	[tilespmem:s18], [sflag:$0xA] =	stream.indirect.gather @!p2 [hbm4b:s3+s16], $0x80, s17, s16, $0xb8;
	[tilespmem:$0x15600] =	vst v63  }
0x58: {  	s18 =	simm.s32 $0x2  }
0x59: {  	_ =	swait.ge [sflag:s18], $0x20;
	[dreg:$0x15] =	wrdreg s5;
	s5 =	ssub.s32 s5, s8  }
0x5a: {  	p1 =	slt.s32 s5, $0x1  }
0x5b: {  	p6 =	sgt.s32 @!p1 s15, $0x180  }
0x5c: {  	p6 =	por p1, !p6  }
.Ltmp2:
0x5d: {  	_ = 	snop;
	(pc) =	sbr.rel @!p6 .LBB2_5-.Ltmp2, $4  }
0x5e: {  	[sflag:s18] =	ssyncset.done $0x0  }
0x5f: {  	[dreg:$0x16] =	wrdreg s5;
	[sflag:s18] =	ssyncadd.s32 $0xFFFFFFE0  }
0x60: {  	s16 =	simm.s32 @!p1 $0x20;
	s17 =	simm.s32 @!p1 $0x200;
	s18 =	simm.s32 @!p1 $0x10280  }
0x61: {  	[tilespmem:s18], [sflag:$0x5] =	stream.indirect.gather @!p1 [hbm4b:s3+s16], $0x80, s17, s16, $0xb8;
	[tilespmem:$0x15600] =	vst v63  }
0x62: {  	s16 =	simm.s32 $0x0;
	s17 =	simm.s32 $0x200  }
.LBB2_3:
0x63: {  	p6 =	sne.s32 s17, $0xFE00;
	[tilespmem:s16+$0x112F0] =	vst v0  }
0x64: {  	[tilespmem:s16+$0x11280] =	vst v0  }
0x65: {  	[tilespmem:s16+$0x11290] =	vst v0  }
.Ltmp3:
0x66: {  	[tilespmem:s16+$0x112A0] =	vst v0;
	(pc) =	sbr.rel @p6 .LBB2_3-.Ltmp3, $4  }
0x67: {  	[tilespmem:s16+$0x112B0] =	vst v0  }
0x68: {  	[tilespmem:s16+$0x112C0] =	vst v0  }
0x69: {  	[tilespmem:s16+$0x112D0] =	vst v0  }
0x6a: {  	[tilespmem:s16+$0x112E0] =	vst v0;
	s16 =	sshra.s32 s17, $0x2;
	s17 =	sadd.s32 $0x200, s17  }
0x6b: {  	[tilespmem:s16+$0x112F0] =	vst v0  }
0x6c: {  	[tilespmem:s16+$0x11280] =	vst v0  }
0x6d: {  	[tilespmem:s16+$0x11290] =	vst v0  }
0x6e: {  	[tilespmem:s16+$0x112A0] =	vst v0  }
0x6f: {  	[tilespmem:s16+$0x112B0] =	vst v0  }
0x70: {  	[tilespmem:s16+$0x112C0] =	vst v0  }
0x71: {  	[tilespmem:s16+$0x112D0] =	vst v0  }
0x72: {  	[tilespmem:s16+$0x112E0] =	vst v0  }
.LBB2_5:
0x73: {  	s0 =	simm.s32 $0x3  }
0x74: {  	_ =	swait.ge [sflag:s0], $0x200  }
0x75: {  	[sflag:s0] =	ssyncset.done $0x0  }
0x76: {  	s17 =	simm.s32 $0x0;
	[sflag:s0] =	ssyncadd.s32 $0xFFFFFE00  }
0x77: {  	v3 =	vld [tilespmem:s17+$0x15280];
	_ =	sdelay $0x1  }
0x78: {  	v2 =	vbroadcast v2, $0x0  }
0x79: {  	v4 =	vor.u32 s9, v1  }
0x7a: {  	vm2 =	vlt.s32 v4, v2  }
0x7b: {  	v3 =	vnsel vm2, $0x0, v3  }
0x7c: {  	s16 =	simm.s32 $0x10;
	s18 =	simm.s32 $0x80;
	[tilespmem:s17+$0x15280] =	vst v3;
	s17 =	smov.u32 s9  }
.LBB2_6:
0x7d: {  	p6 =	sne.s32 s18, $0x7C0;
	v3 =	vld [tilespmem:s16+$0x15280];
	_ =	sdelay $0x1  }
.Ltmp4:
0x7e: {  	s17 =	sadd.s32 $0x10, s17;
	(pc) =	sbr.rel @p6 .LBB2_6-.Ltmp4, $4  }
0x7f: {  	v4 =	vor.u32 s17, v1  }
0x80: {  	vm2 =	vlt.s32 v4, v2  }
0x81: {  	v3 =	vnsel vm2, $0x0, v3  }
0x82: {  	[tilespmem:s16+$0x15280] =	vst v3;
	s16 =	sshra.s32 s18, $0x2;
	s18 =	sadd.s32 $0x40, s18  }
0x83: {  	v3 =	vld [tilespmem:s16+$0x15280];
	_ =	sdelay $0x1  }
0x84: {  	s17 =	sadd.s32 $0x10, s17  }
.Ltmp5:
0x85: {  	v4 =	vor.u32 s17, v1;
	(pc) =	sbr.rel @p0 .LBB2_9-.Ltmp5, $4  }
0x86: {  	vm2 =	vlt.s32 v4, v2  }
0x87: {  	v2 =	vnsel vm2, $0x0, v3  }
0x88: {  	[tilespmem:s16+$0x15280] =	vst v2  }
0x89: {  	[hbm4b:s4+s1] =	stream.strided.scatter [tilespmem:s2], [sflag:$0x4], $0x200, s31, s1, $0x38;
	[tilespmem:$0x15600] =	vst v63  }
0x8a: {  	v2 =	vld [tilespmem:$0x15480];
	_ =	sdelay $0x4  }
0x8b: {  	(v2sf) =	vpush v2, $0x0  }
0x8c: {  	(v2sf) =	vpush v2, $0x1  }
0x8d: {  	(v2sf) =	vpush v2, $0x2  }
0x8e: {  	v3 =	vld [tilespmem:$0x15500];
	(v2sf) =	vpush v2, $0x3  }
0x8f: {  	(v2sf) =	vpush v2, $0x4  }
0x90: {  	(v2sf) =	vpush v2, $0x5  }
0x91: {  	(v2sf) =	vpush v2, $0x6  }
0x92: {  	(v2sf) =	vpush v2, $0x7  }
0x93: {  	(v2sf) =	vpush v3, $0x0  }
0x94: {  	(v2sf) =	vpush v3, $0x1;
	_ =	sdelay $0x1  }
0x95: {  	(v2sf) =	vpush v3, $0x2  }
0x96: {  	(v2sf) =	vpush v3, $0x3;
	_ =	sdelay $0x1  }
0x97: {  	s6 =	smov.u32 s30;
	s30 =	smov.u32 s29  }
0x98: {  	s29 =	smov.u32 s26;
	s26 =	smov.u32 s24;
	s16 =	spop (v2sf);
	(v2sf) =	vpush v3, $0x4  }
0x99: {  	s24 =	smov.u32 s4;
	s4 =	smov.u32 s21;
	s17 =	spop (v2sf)  }
0x9a: {  	s21 =	smov.u32 s19;
	s0 =	smov.u32 s22;
	(v2sf) =	vpush v3, $0x5;
	s18 =	spop (v2sf)  }
0x9b: {  	s22 =	smov.u32 s8;
	s1 =	smov.u32 s9;
	s19 =	spop (v2sf)  }
0x9c: {  	s9 =	smov.u32 s3;
	s3 =	smov.u32 s7;
	(v2sf) =	vpush v3, $0x6;
	s8 =	spop (v2sf)  }
0x9d: {  	s7 =	smov.u32 s25;
	s25 =	smov.u32 s23;
	s5 =	spop (v2sf)  }
0x9e: {  	s23 =	smov.u32 s20;
	s20 =	smov.u32 s14;
	(v2sf) =	vpush v3, $0x7;
	s14 =	spop (v2sf)  }
0x9f: {  	p6 =	sgt.s32 s16, s17;
	s31 =	spop (v2sf)  }
0xa0: {  	s17 =	smov.u32 @p6 s16;
	s2 =	spop (v2sf)  }
0xa1: {  	p6 =	sgt.s32 s17, s18;
	s16 =	spop (v2sf)  }
0xa2: {  	s18 =	smov.u32 @p6 s17;
	p6 =	sgt.s32 s2, s16  }
0xa3: {  	s17 =	spop (v2sf);
	s16 =	smov.u32 @p6 s2;
	p6 =	sgt.s32 s18, s19  }
0xa4: {  	s2 =	spop (v2sf);
	s19 =	smov.u32 @p6 s18;
	p6 =	sgt.s32 s16, s17  }
0xa5: {  	s18 =	simm.s32 $0xF;
	s17 =	smov.u32 @p6 s16;
	p6 =	sgt.s32 s19, s8  }
0xa6: {  	s8 =	smov.u32 @p6 s19;
	s19 =	smov.u32 s21;
	p6 =	sgt.s32 s17, s2  }
0xa7: {  	s16 =	spop (v2sf);
	s2 =	smov.u32 @p6 s17;
	p6 =	sgt.s32 s8, s5  }
0xa8: {  	s21 =	smov.u32 s4;
	s5 =	smov.u32 @p6 s8;
	p6 =	sgt.s32 s2, s16  }
0xa9: {  	s8 =	spop (v2sf);
	s16 =	smov.u32 @p6 s2;
	p6 =	sgt.s32 s5, s14  }
0xaa: {  	s4 =	smov.u32 s24;
	s14 =	smov.u32 @p6 s5;
	p6 =	sgt.s32 s16, s8  }
0xab: {  	s2 =	spop (v2sf);
	s8 =	smov.u32 @p6 s16;
	p6 =	sgt.s32 s14, s31  }
0xac: {  	s24 =	smov.u32 s26;
	s31 =	smov.u32 @p6 s14;
	p6 =	sgt.s32 s8, s2  }
0xad: {  	s26 =	smov.u32 s29;
	s5 =	spop (v2sf);
	s2 =	smov.u32 @p6 s8  }
0xae: {  	s29 =	smov.u32 s30;
	s30 =	smov.u32 s6;
	v2 =	vmov s31;
	p6 =	sgt.s32 s2, s5  }
0xaf: {  	s6 =	simm.s32 $0x0;
	s17 =	simm.s32 $0x15580;
	v2 =	vnsel vm0, $0x0, v2;
	s5 =	smov.u32 @p6 s2  }
0xb0: {  	s16 =	rddreg [dreg:$0x9];
	s14 =	smov.u32 s20;
	s20 =	smov.u32 s23;
	v2 =	vsel vm1, s5, v2  }
0xb1: {  	s23 =	smov.u32 s25;
	s25 =	smov.u32 s7;
	s7 =	smov.u32 s3;
	[tilespmem:$0x15580] =	vst v2  }
0xb2: {  	[hbm4b:s16+s6] =	stream.linear.scatter [tilespmem:s17], [sflag:$0xF], $0x80, $0x38;
	[tilespmem:$0x15600] =	vst v63  }
0xb3: {  	s3 =	smov.u32 s9;
	s9 =	smov.u32 s1;
	_ =	swait.ge [sflag:s18], $0x80  }
0xb4: {  	s1 =	simm.s32 $0x80;
	s8 =	smov.u32 s22;
	[sflag:s18] =	ssyncset.done $0x0  }
0xb5: {  	s22 =	smov.u32 s0;
	s31 =	simm.s32 $0x400;
	[sflag:s18] =	ssyncadd.s32 $0xFFFFFF80  }
.LBB2_9:
0xb6: {  	p6 =	sgt.u32 @!p5 s15, $0x7F  }
0xb7: {  	p6 =	por p5, p6  }
.Ltmp6:
0xb8: {  	_ = 	snop;
	(pc) =	sbr.rel @p6 .LBB2_10-.Ltmp6, $4  }
0xb9: {  	s2 =	simm.s32 @!p5 $0x7  }
0xba: {  	_ =	swait.ge @!p5 [sflag:s2], $0x4000  }
0xbb: {  	s5 =	sshll.u32 s10, $0x9;
	[sflag:s2] =	ssyncset.done @!p5 $0x0  }
0xbc: {  	s15 =	sshra.s32 s5, $0x2;
	[sflag:s2] =	ssyncadd.s32 @!p5 $0xFFFFC000  }
0xbd: {  	s0 =	rddreg [dreg:$0xc]  }
0xbe: {  	s18 =	rddreg [dreg:$0xb]  }
0xbf: {  	s16 =	sadd.s32 s15, s0;
	s2 =	sadd.s32 s10, s18  }
0xc0: {  	[tilespmem:s16+$0xFFFFFFC0] =	vst v0;
	s17 =	sadd.s32 $0x1, s2  }
0xc1: {  	[tilespmem:s16+$0x30] =	vst v0;
	p5 =	slt.s32 s17, $0x7F  }
.Ltmp7:
0xc2: {  	[tilespmem:s16+$0x20] =	vst v0;
	(pc) =	sbr.rel @!p5 .LBB2_13-.Ltmp7, $4  }
0xc3: {  	[tilespmem:s16+$0x10] =	vst v0  }
0xc4: {  	[tilespmem:s16+$0x0] =	vst v0  }
0xc5: {  	[tilespmem:s16+$0xFFFFFFF0] =	vst v0  }
0xc6: {  	[tilespmem:s16+$0xFFFFFFE0] =	vst v0  }
.LBB2_12:
0xc7: {  	s17 =	sadd.s32 $0x1, s17;
	[tilespmem:s16+$0xFFFFFFD0] =	vst v0;
	s16 =	sadd.s32 $0x80, s16  }
0xc8: {  	[tilespmem:s16+$0xFFFFFFC0] =	vst v0;
	p5 =	slt.s32 s17, $0x7F  }
0xc9: {  	[tilespmem:s16+$0x30] =	vst v0  }
.Ltmp8:
0xca: {  	[tilespmem:s16+$0x20] =	vst v0;
	(pc) =	sbr.rel @p5 .LBB2_12-.Ltmp8, $4  }
0xcb: {  	[tilespmem:s16+$0x10] =	vst v0  }
0xcc: {  	[tilespmem:s16+$0x0] =	vst v0  }
0xcd: {  	[tilespmem:s16+$0xFFFFFFF0] =	vst v0  }
0xce: {  	[tilespmem:s16+$0xFFFFFFE0] =	vst v0  }
.LBB2_13:
.Ltmp9:
0xcf: {  	(pc) =	sbr.rel .LBB2_14-.Ltmp9, $2  }
0xd0: {  	_ =	sdelay $0x2  }
0xd1: {  	[tilespmem:s16+$0xFFFFFFD0] =	vst v0;
	s16 =	simm.s32 $0x280  }
.LBB2_10:
0xd2: {  	s16 =	simm.s32 @!p5 $0x280  }
0xd3: {  	s16 =	simm.s32 @p5 $0x11280  }
.LBB2_14:
0xd4: {  	[hbm4b:s23+s6] =	stream.linear.scatter [tilespmem:s16], [sflag:$0xB], $0x4000, $0x38;
	[tilespmem:$0x15600] =	vst v63  }
0xd5: {  	p5 =	sgt.u32 @!p4 s13, $0x7F  }
0xd6: {  	p5 =	por p4, p5  }
.Ltmp10:
0xd7: {  	_ = 	snop;
	(pc) =	sbr.rel @p5 .LBB2_15-.Ltmp10, $4  }
0xd8: {  	s2 =	simm.s32 @!p4 $0x8  }
0xd9: {  	_ =	swait.ge @!p4 [sflag:s2], $0x4000  }
0xda: {  	[sflag:s2] =	ssyncset.done @!p4 $0x0  }
0xdb: {  	[sflag:s2] =	ssyncadd.s32 @!p4 $0xFFFFC000  }
0xdc: {  	s0 =	rddreg [dreg:$0xd]  }
0xdd: {  	s18 =	rddreg [dreg:$0x11]  }
0xde: {  	s13 =	sadd.s32 s15, s0;
	s2 =	sadd.s32 s10, s18  }
0xdf: {  	[tilespmem:s13+$0x0] =	vst v0;
	s16 =	sadd.s32 $0x1, s2  }
0xe0: {  	[tilespmem:s13+$0x70] =	vst v0;
	p4 =	slt.s32 s16, $0x7F  }
.Ltmp11:
0xe1: {  	[tilespmem:s13+$0x60] =	vst v0;
	(pc) =	sbr.rel @!p4 .LBB2_18-.Ltmp11, $4  }
0xe2: {  	[tilespmem:s13+$0x50] =	vst v0  }
0xe3: {  	[tilespmem:s13+$0x40] =	vst v0  }
0xe4: {  	[tilespmem:s13+$0x30] =	vst v0  }
0xe5: {  	[tilespmem:s13+$0x20] =	vst v0  }
.LBB2_17:
0xe6: {  	s16 =	sadd.s32 $0x1, s16;
	[tilespmem:s13+$0x10] =	vst v0;
	s13 =	sadd.s32 $0x80, s13  }
0xe7: {  	[tilespmem:s13+$0x0] =	vst v0;
	p4 =	slt.s32 s16, $0x7F  }
0xe8: {  	[tilespmem:s13+$0x70] =	vst v0  }
.Ltmp12:
0xe9: {  	[tilespmem:s13+$0x60] =	vst v0;
	(pc) =	sbr.rel @p4 .LBB2_17-.Ltmp12, $4  }
0xea: {  	[tilespmem:s13+$0x50] =	vst v0  }
0xeb: {  	[tilespmem:s13+$0x40] =	vst v0  }
0xec: {  	[tilespmem:s13+$0x30] =	vst v0  }
0xed: {  	[tilespmem:s13+$0x20] =	vst v0  }
.LBB2_18:
.Ltmp13:
0xee: {  	(pc) =	sbr.rel .LBB2_19-.Ltmp13, $2  }
0xef: {  	_ =	sdelay $0x2  }
0xf0: {  	[tilespmem:s13+$0x10] =	vst v0;
	s13 =	simm.s32 $0x4280  }
.LBB2_15:
0xf1: {  	s13 =	simm.s32 @!p4 $0x4280  }
0xf2: {  	s13 =	simm.s32 @p4 $0x11280  }
.LBB2_19:
0xf3: {  	[hbm4b:s24+s6] =	stream.linear.scatter [tilespmem:s13], [sflag:$0xC], $0x4000, $0x38;
	[tilespmem:$0x15600] =	vst v63  }
0xf4: {  	p4 =	sgt.u32 @!p3 s12, $0x7F  }
0xf5: {  	p4 =	por p3, p4  }
.Ltmp14:
0xf6: {  	_ = 	snop;
	(pc) =	sbr.rel @p4 .LBB2_20-.Ltmp14, $4  }
0xf7: {  	s2 =	simm.s32 @!p3 $0x9  }
0xf8: {  	_ =	swait.ge @!p3 [sflag:s2], $0x4000  }
0xf9: {  	[sflag:s2] =	ssyncset.done @!p3 $0x0  }
0xfa: {  	[sflag:s2] =	ssyncadd.s32 @!p3 $0xFFFFC000  }
0xfb: {  	s0 =	rddreg [dreg:$0xe]  }
0xfc: {  	s18 =	rddreg [dreg:$0x12]  }
0xfd: {  	s12 =	sadd.s32 s15, s0;
	s2 =	sadd.s32 s10, s18  }
0xfe: {  	[tilespmem:s12+$0x0] =	vst v0;
	s13 =	sadd.s32 $0x1, s2  }
0xff: {  	[tilespmem:s12+$0x70] =	vst v0;
	p3 =	slt.s32 s13, $0x7F  }
.Ltmp15:
0x100: {  	[tilespmem:s12+$0x60] =	vst v0;
	(pc) =	sbr.rel @!p3 .LBB2_23-.Ltmp15, $4  }
0x101: {  	[tilespmem:s12+$0x50] =	vst v0  }
0x102: {  	[tilespmem:s12+$0x40] =	vst v0  }
0x103: {  	[tilespmem:s12+$0x30] =	vst v0  }
0x104: {  	[tilespmem:s12+$0x20] =	vst v0  }
.LBB2_22:
0x105: {  	s13 =	sadd.s32 $0x1, s13;
	[tilespmem:s12+$0x10] =	vst v0;
	s12 =	sadd.s32 $0x80, s12  }
0x106: {  	[tilespmem:s12+$0x0] =	vst v0;
	p3 =	slt.s32 s13, $0x7F  }
0x107: {  	[tilespmem:s12+$0x70] =	vst v0  }
.Ltmp16:
0x108: {  	[tilespmem:s12+$0x60] =	vst v0;
	(pc) =	sbr.rel @p3 .LBB2_22-.Ltmp16, $4  }
0x109: {  	[tilespmem:s12+$0x50] =	vst v0  }
0x10a: {  	[tilespmem:s12+$0x40] =	vst v0  }
0x10b: {  	[tilespmem:s12+$0x30] =	vst v0  }
0x10c: {  	[tilespmem:s12+$0x20] =	vst v0  }
.LBB2_23:
.Ltmp17:
0x10d: {  	(pc) =	sbr.rel .LBB2_24-.Ltmp17, $2  }
0x10e: {  	_ =	sdelay $0x2  }
0x10f: {  	[tilespmem:s12+$0x10] =	vst v0;
	s12 =	simm.s32 $0x8280  }
.LBB2_20:
0x110: {  	s12 =	simm.s32 @!p3 $0x8280  }
0x111: {  	s12 =	simm.s32 @p3 $0x11280  }
.LBB2_24:
0x112: {  	[hbm4b:s25+s6] =	stream.linear.scatter [tilespmem:s12], [sflag:$0xD], $0x4000, $0x38;
	[tilespmem:$0x15600] =	vst v63  }
0x113: {  	p3 =	sgt.u32 @!p2 s11, $0x7F  }
0x114: {  	p3 =	por p2, p3  }
.Ltmp18:
0x115: {  	_ = 	snop;
	(pc) =	sbr.rel @p3 .LBB2_25-.Ltmp18, $4  }
0x116: {  	s2 =	simm.s32 @!p2 $0xA  }
0x117: {  	_ =	swait.ge @!p2 [sflag:s2], $0x4000  }
0x118: {  	[sflag:s2] =	ssyncset.done @!p2 $0x0  }
0x119: {  	[sflag:s2] =	ssyncadd.s32 @!p2 $0xFFFFC000  }
0x11a: {  	s0 =	rddreg [dreg:$0xf]  }
0x11b: {  	s18 =	rddreg [dreg:$0x13]  }
0x11c: {  	s11 =	sadd.s32 s15, s0;
	s2 =	sadd.s32 s10, s18  }
0x11d: {  	[tilespmem:s11+$0x0] =	vst v0;
	s10 =	sadd.s32 $0x1, s2  }
0x11e: {  	[tilespmem:s11+$0x70] =	vst v0;
	p2 =	slt.s32 s10, $0x7F  }
.Ltmp19:
0x11f: {  	[tilespmem:s11+$0x60] =	vst v0;
	(pc) =	sbr.rel @!p2 .LBB2_28-.Ltmp19, $4  }
0x120: {  	[tilespmem:s11+$0x50] =	vst v0  }
0x121: {  	[tilespmem:s11+$0x40] =	vst v0  }
0x122: {  	[tilespmem:s11+$0x30] =	vst v0  }
0x123: {  	[tilespmem:s11+$0x20] =	vst v0  }
.LBB2_27:
0x124: {  	s10 =	sadd.s32 $0x1, s10;
	[tilespmem:s11+$0x10] =	vst v0;
	s11 =	sadd.s32 $0x80, s11  }
0x125: {  	[tilespmem:s11+$0x0] =	vst v0;
	p2 =	slt.s32 s10, $0x7F  }
0x126: {  	[tilespmem:s11+$0x70] =	vst v0  }
.Ltmp20:
0x127: {  	[tilespmem:s11+$0x60] =	vst v0;
	(pc) =	sbr.rel @p2 .LBB2_27-.Ltmp20, $4  }
0x128: {  	[tilespmem:s11+$0x50] =	vst v0  }
0x129: {  	[tilespmem:s11+$0x40] =	vst v0  }
0x12a: {  	[tilespmem:s11+$0x30] =	vst v0  }
0x12b: {  	[tilespmem:s11+$0x20] =	vst v0  }
.LBB2_28:
.Ltmp21:
0x12c: {  	(pc) =	sbr.rel .LBB2_29-.Ltmp21, $2  }
0x12d: {  	_ =	sdelay $0x2  }
0x12e: {  	[tilespmem:s11+$0x10] =	vst v0;
	s10 =	simm.s32 $0xC280  }
.LBB2_25:
0x12f: {  	s10 =	simm.s32 @!p2 $0xC280  }
0x130: {  	s10 =	simm.s32 @p2 $0x11280  }
.LBB2_29:
0x131: {  	[hbm4b:s26+s6] =	stream.linear.scatter [tilespmem:s10], [sflag:$0xE], $0x4000, $0x38;
	[tilespmem:$0x15600] =	vst v63  }
0x132: {  	s2 =	simm.s32 @!p1 $0x5  }
0x133: {  	_ =	swait.ge @!p1 [sflag:s2], $0x1000  }
0x134: {  	s0 =	rddreg [dreg:$0x16]  }
0x135: {  	p2 =	sgt.u32 @!p1 s0, $0x1F  }
0x136: {  	p2 =	por p1, p2  }
.Ltmp22:
0x137: {  	_ = 	snop;
	(pc) =	sbr.rel @p2 .LBB2_30-.Ltmp22, $3  }
0x138: {  	_ =	sdelay $0x1  }
0x139: {  	[sflag:s2] =	ssyncset.done @!p1 $0x0  }
0x13a: {  	[sflag:s2] =	ssyncadd.s32 @!p1 $0xFFFFF000  }
0x13b: {  	s5 =	rddreg [dreg:$0x15]  }
0x13c: {  	s0 =	rddreg [dreg:$0x10];
	s2 =	sshll.u32 s5, $0x9  }
0x13d: {  	s17 =	rddreg [dreg:$0x14];
	s2 =	sshra.s32 s2, $0x2  }
0x13e: {  	s18 =	sadd.s32 s5, s17;
	s10 =	sadd.s32 s2, s0  }
0x13f: {  	s11 =	sadd.s32 $0x1, s18;
	[tilespmem:s10+$0xFFFFFFC0] =	vst v0  }
0x140: {  	p1 =	slt.s32 s11, $0x1F;
	[tilespmem:s10+$0x30] =	vst v0  }
.Ltmp23:
0x141: {  	[tilespmem:s10+$0x20] =	vst v0;
	(pc) =	sbr.rel @!p1 .LBB2_33-.Ltmp23, $4  }
0x142: {  	[tilespmem:s10+$0x10] =	vst v0  }
0x143: {  	[tilespmem:s10+$0x0] =	vst v0  }
0x144: {  	[tilespmem:s10+$0xFFFFFFF0] =	vst v0  }
0x145: {  	[tilespmem:s10+$0xFFFFFFE0] =	vst v0  }
.LBB2_32:
0x146: {  	s11 =	sadd.s32 $0x1, s11;
	[tilespmem:s10+$0xFFFFFFD0] =	vst v0;
	s10 =	sadd.s32 $0x80, s10  }
0x147: {  	[tilespmem:s10+$0xFFFFFFC0] =	vst v0;
	p1 =	slt.s32 s11, $0x1F  }
0x148: {  	[tilespmem:s10+$0x30] =	vst v0  }
.Ltmp24:
0x149: {  	[tilespmem:s10+$0x20] =	vst v0;
	(pc) =	sbr.rel @p1 .LBB2_32-.Ltmp24, $4  }
0x14a: {  	[tilespmem:s10+$0x10] =	vst v0  }
0x14b: {  	[tilespmem:s10+$0x0] =	vst v0  }
0x14c: {  	[tilespmem:s10+$0xFFFFFFF0] =	vst v0  }
0x14d: {  	[tilespmem:s10+$0xFFFFFFE0] =	vst v0  }
.LBB2_33:
.Ltmp25:
0x14e: {  	(pc) =	sbr.rel .LBB2_34-.Ltmp25, $2  }
0x14f: {  	_ =	sdelay $0x2  }
0x150: {  	[tilespmem:s10+$0xFFFFFFD0] =	vst v0;
	s10 =	simm.s32 $0x10280;
	s2 =	simm.s32 $0x15280  }
.LBB2_35:
0x151: {  	_ =	sfence.sel $0x180000  }
0x152: {  	[bflag:$0x0] =	sbarrier.arrive $0xFFFF  }
0x153: {  	_ =	strace $0x90000047  }
0x154: {  	s0 =	stileid.u32;
	[bflag:$0x2] =	sbarrier.arrive $0xFFFF  }
0x155: {  	p0 =	sne.s32 s0, $0x0;
	s0 =	rddreg [dreg:$0xa]  }
0x156: {  	s0 =	sadd.s32 @!p0 $0x100000, s0  }
0x157: {  	[sflag:s0] =	ssyncadd.tile.s32 @!p0 $0x1;
	_ =	shalt  }
.Lfunc_end2:
_tile_overlayer_lowered:
.L_overlay_start_2:
0x158: {  	(tag) =	ssettag $0x2  }
0x159: {  	s0 =	rddreg [dreg:$0x0];
	s2 =	stileid.u32  }
0x15a: {  	s1 =	rddreg [dreg:$0x1];
	p0 =	sne.s32 s2, $0x0  }
0x15b: {  	s3 =	rddreg [dreg:$0x2];
	[bflag:$0x3] =	sbarrier.arrive $0xFFFF;
	s2 =	simm.s32 @!p0 $0x1C0F  }
0x15c: {  	[timem:s3], [sflag:s2] =	dma.local @!p0 [hbm:s0], s1  }
0x15d: {  	s0 =	simm.s32 @!p0 $0xF  }
0x15e: {  	_ =	swait.ge @!p0 [sflag:s0], s1  }
0x15f: {  	s1 =	ssub.s32 @!p0 $0x0, s1;
	[sflag:s0] =	ssyncset.done @!p0 $0x0  }
0x160: {  	[sflag:s0] =	ssyncadd.s32 @!p0 s1  }
0x161: {  	[bflag:$0x3] =	sbarrier.arrive $0xFFFF  }
0x162: {  	_ =	shalt  }

</sc_bundles>
